<compile_context>
chip_gen: v7x
topology: tpu7x:2x2x1
jax: 0.10.2.dev20260603
libtpu: 0.0.44.dev20260713+nightly
codegen_flags: <defaults>
</compile_context>

<pallas_src>
import functools

import jax
import jax.numpy as jnp
from jax import lax
from jax.experimental import pallas as pl
from jax.experimental.pallas import tpu as pltpu
from jax.experimental.pallas import tpu_sc as plsc

B = 1024
N = 1000
C = 128
K = 10
EPS = 1e-8

NUM_CORES = 2
NUM_SUBCORES = 16
NW = NUM_CORES * NUM_SUBCORES
ROWS = B * K
RPW = ROWS // NW
CHUNKS = ((0, 112), (112, 112), (224, 96))


def _topk_body(x_ref, m_ref, inds_ref):
    x = x_ref[...]
    m = m_ref[...]
    dots = lax.dot_general(x, m, (((1,), (1,)), ((), ())),
                           preferred_element_type=jnp.float32)
    xn = jnp.sqrt(jnp.sum(x * x, axis=1, keepdims=True))
    mn = jnp.sqrt(jnp.sum(m * m, axis=1, keepdims=True))
    sims = dots / jnp.maximum(xn * mn.reshape(1, N), EPS)
    sims = jnp.concatenate(
        [sims, jnp.full((B, 1024 - N), -jnp.inf, jnp.float32)], axis=1)

    iota_f = lax.broadcasted_iota(jnp.int32, (B, 1024), 1).astype(jnp.float32)
    iota_cols = lax.broadcasted_iota(jnp.int32, (B, 128), 1)
    inds_acc = jnp.zeros((B, 128), jnp.int32)
    for j in range(K):
        rowmax = jnp.max(sims, axis=1, keepdims=True)
        cand = jnp.where(sims == rowmax, iota_f, jnp.float32(2048.0))
        idxf = jnp.min(cand, axis=1, keepdims=True)
        idx = idxf.astype(jnp.int32)
        inds_acc = jnp.where(iota_cols == j, idx, inds_acc)
        sims = jnp.where(iota_f == idxf, -jnp.inf, sims)
    inds_ref[...] = inds_acc


_topk = pl.pallas_call(
    _topk_body,
    out_shape=jax.ShapeDtypeStruct((B, 128), jnp.int32),
)


@functools.partial(
    pl.kernel,
    mesh=plsc.VectorSubcoreMesh(core_axis_name="c", subcore_axis_name="s"),
    out_type=jax.ShapeDtypeStruct((ROWS, C), jnp.float32),
    scratch_types=[
        pltpu.VMEM((RPW,), jnp.int32),
        pltpu.VMEM((RPW, C), jnp.float32),
        pltpu.VMEM_SHARED((N, C), jnp.float32),
        pltpu.SemaphoreType.DMA,
        pltpu.SemaphoreType.DMA,
    ],
)
def _gather(table_hbm, inds_hbm, out_hbm, idx_v, rows_v, table_sp, gsem, wsem):
    wid = lax.axis_index("s") * NUM_CORES + lax.axis_index("c")
    sid = lax.axis_index("s")
    @pl.when(sid < 15)
    def _stage_full():
        pltpu.sync_copy(table_hbm.at[pl.ds(sid * 64, 64)],
                        table_sp.at[pl.ds(sid * 64, 64)])

    @pl.when(sid == 15)
    def _stage_tail():
        pltpu.sync_copy(table_hbm.at[pl.ds(960, 40)],
                        table_sp.at[pl.ds(960, 40)])
    pltpu.sync_copy(inds_hbm.at[pl.ds(wid * RPW, RPW)], idx_v)
    plsc.subcore_barrier()
    copies = []
    for off, sz in CHUNKS:
        copies.append(pltpu.async_copy(
            table_sp.at[idx_v.at[pl.ds(off, sz)]],
            rows_v.at[pl.ds(off, sz)],
            gsem,
        ))
    writes = []
    for i, (off, sz) in enumerate(CHUNKS):
        copies[i].wait()
        writes.append(pltpu.async_copy(
            rows_v.at[pl.ds(off, sz)],
            out_hbm.at[pl.ds(wid * RPW + off, sz)],
            wsem,
        ))
    for wr in writes:
        wr.wait()


def kernel(x, mod_embeddings, k):
    del k
    inds128 = _topk(x, mod_embeddings)
    flat = inds128[:, :K].reshape(ROWS)
    rows = _gather(mod_embeddings, flat)
    return rows.reshape(K, B, C).transpose(1, 0, 2)

# --- scband reference (transcript-rebuilt; emitter-appended) ---
"""Pipeline reference for scband-top-similar-tokens-32418413150670 (READ-ONLY COPY).

The authoritative reference and input builder live on the scoring server;
editing this copy changes nothing except your own understanding.
"""

import jax, jax.numpy as jnp
import numpy as np


def setup_inputs(seed: int = 0) -> dict:
    key = jax.random.key(seed)
    k1, k2 = jax.random.split(key)
    x = jax.random.normal(k1, (1024, 128), dtype=jnp.float32)
    mod_embeddings = jax.random.normal(k2, (1000, 128), dtype=jnp.float32)
    return {"x": x, "mod_embeddings": mod_embeddings, "k": 10}


def reference(x, mod_embeddings, k):
    # x: [B, C], mod_embeddings: [N, C]
    B, C = x.shape
    eps = 1e-8
    # nn.CosineSimilarity(dim=-1) with broadcasting: sim[b, n] = (x[b] . m[n]) / max(||x[b]|| * ||m[n]||, eps)
    x_norm = jnp.linalg.norm(x, axis=-1, keepdims=True)                 # [B, 1]
    m_norm = jnp.linalg.norm(mod_embeddings, axis=-1, keepdims=True)    # [N, 1]
    dots = x @ mod_embeddings.T                                         # [B, N]
    similarities = dots / jnp.maximum(x_norm * m_norm.T, eps)           # [B, N]
    similarities = similarities + (k - k)
    # torch.topk(similarities, k, sorted=False): same index set as sorted top_k
    _, inds = jax.lax.top_k(similarities, 10)                           # [B, k]
    # torch.index_select(mod_embeddings, 0, inds.view(-1))
    mod_tokens = jnp.take(mod_embeddings, inds.reshape(-1), axis=0)     # [B*k, C]
    # .reshape(-1, B, C).permute(1, 0, 2)  (faithful to original, including its layout semantics)
    mod_tokens = mod_tokens.reshape(-1, B, C).transpose(1, 0, 2)        # [B, k, C]
    return mod_tokens

if __name__ == "__main__":
    import jax
    _d = setup_inputs()
    print(jax.jit(kernel)(*tuple(_d.values())))

</pallas_src>

<mosaic_0001>
#map = affine_map<(d0, d1) -> (0, 0)>
#map1 = affine_map<(d0, d1) -> (0)>
module attributes {stable_mosaic.version = 14 : i64} {
  func.func @_gather(%arg0: i32, %arg1: i32, %arg2: memref<1000x128xf32, #tpu.memory_space<hbm>>, %arg3: memref<10240xi32, #tpu.memory_space<hbm>>, %arg4: memref<10240x128xf32, #tpu.memory_space<hbm>>, %arg5: memref<320xi32, #tpu.memory_space<vmem>>, %arg6: memref<320x128xf32, #tpu.memory_space<vmem>>, %arg7: memref<1000x128xf32, #tpu.memory_space<vmem_shared>>, %arg8: memref<!tpu.dma_semaphore, #tpu.memory_space<semaphore_mem>>, %arg9: memref<!tpu.dma_semaphore, #tpu.memory_space<semaphore_mem>>) attributes {dimension_semantics = [#tpu.dimension_semantics<core_parallel>, #tpu.dimension_semantics<subcore_parallel>], iteration_bounds = array<i64: 2, 16>, scalar_prefetch = 0 : i64, scratch_operands = 5 : i64, tpu.core_type = #tpu.core_type<sc_vector_subcore>, window_params = [{transform_indices = #map}, {transform_indices = #map1}, {transform_indices = #map}]} {
    %mul3A = arith.constant 2 : i32
    %mul3A_0 = arith.muli %arg1, %mul3A : i32
    %add3A = arith.addi %mul3A_0, %arg0 : i32
    %lt3A = arith.constant 15 : i32
    %lt3A_1 = arith.cmpi slt, %arg1, %lt3A : i32
    %convert_element_type3A = arith.extui %lt3A_1 : i1 to i32
    %cond3A = arith.constant 0 : i32
    %cond3A_2 = arith.cmpi ne, %convert_element_type3A, %cond3A : i32
    scf.if %cond3A_2 {
      %mul3A_127 = arith.constant 64 : i32
      %mul3A_128 = arith.muli %arg1, %mul3A_127 : i32
      %mul3A_129 = arith.constant 64 : i32
      %mul3A_130 = arith.muli %arg1, %mul3A_129 : i32
      "tpu.region"() ({
        %run_scoped3A = tpu.sem_alloc : memref<!tpu.dma_semaphore, #tpu.memory_space<semaphore_mem>>
        %dma_start3A_131 = arith.constant 0 : i32
        %dma_start3A_132 = tpu.memref_slice %arg7[%mul3A_130, %dma_start3A_131] : memref<1000x128xf32, #tpu.memory_space<vmem_shared>> -> memref<64x128xf32, #tpu.memory_space<vmem_shared>>
        %dma_start3A_133 = arith.constant 0 : i32
        %dma_start3A_134 = tpu.memref_slice %arg2[%mul3A_128, %dma_start3A_133] : memref<1000x128xf32, #tpu.memory_space<hbm>> -> memref<64x128xf32, #tpu.memory_space<hbm>>
        tpu.enqueue_dma source(%dma_start3A_134 : memref<64x128xf32, #tpu.memory_space<hbm>>) target(%dma_start3A_132 : memref<64x128xf32, #tpu.memory_space<vmem_shared>>) target_semaphore(%run_scoped3A : memref<!tpu.dma_semaphore, #tpu.memory_space<semaphore_mem>>)
        %dma_wait3A_135 = arith.constant 0 : i32
        %dma_wait3A_136 = tpu.memref_slice %arg7[%mul3A_130, %dma_wait3A_135] : memref<1000x128xf32, #tpu.memory_space<vmem_shared>> -> memref<64x128xf32, #tpu.memory_space<vmem_shared>>
        %dma_wait3A_137 = arith.constant 0 : i32
        %dma_wait3A_138 = tpu.memref_slice %arg2[%mul3A_128, %dma_wait3A_137] : memref<1000x128xf32, #tpu.memory_space<hbm>> -> memref<64x128xf32, #tpu.memory_space<hbm>>
        tpu.wait_dma2 semaphore(%run_scoped3A : memref<!tpu.dma_semaphore, #tpu.memory_space<semaphore_mem>>) src(%dma_wait3A_138 : memref<64x128xf32, #tpu.memory_space<hbm>>) dst(%dma_wait3A_136 : memref<64x128xf32, #tpu.memory_space<vmem_shared>>)
        tpu.yield
      }) : () -> ()
    } else {
    }
    %eq3A = arith.constant 15 : i32
    %eq3A_3 = arith.cmpi eq, %arg1, %eq3A : i32
    %convert_element_type3A_4 = arith.extui %eq3A_3 : i1 to i32
    %cond3A_5 = arith.constant 0 : i32
    %cond3A_6 = arith.cmpi ne, %convert_element_type3A_4, %cond3A_5 : i32
    scf.if %cond3A_6 {
      "tpu.region"() ({
        %run_scoped3A = tpu.sem_alloc : memref<!tpu.dma_semaphore, #tpu.memory_space<semaphore_mem>>
        %dma_start3A_127 = arith.constant 960 : i32
        %dma_start3A_128 = arith.constant 0 : i32
        %dma_start3A_129 = tpu.memref_slice %arg7[%dma_start3A_127, %dma_start3A_128] : memref<1000x128xf32, #tpu.memory_space<vmem_shared>> -> memref<40x128xf32, #tpu.memory_space<vmem_shared>>
        %dma_start3A_130 = arith.constant 960 : i32
        %dma_start3A_131 = arith.constant 0 : i32
        %dma_start3A_132 = tpu.memref_slice %arg2[%dma_start3A_130, %dma_start3A_131] : memref<1000x128xf32, #tpu.memory_space<hbm>> -> memref<40x128xf32, #tpu.memory_space<hbm>>
        tpu.enqueue_dma source(%dma_start3A_132 : memref<40x128xf32, #tpu.memory_space<hbm>>) target(%dma_start3A_129 : memref<40x128xf32, #tpu.memory_space<vmem_shared>>) target_semaphore(%run_scoped3A : memref<!tpu.dma_semaphore, #tpu.memory_space<semaphore_mem>>)
        %dma_wait3A_133 = arith.constant 960 : i32
        %dma_wait3A_134 = arith.constant 0 : i32
        %dma_wait3A_135 = tpu.memref_slice %arg7[%dma_wait3A_133, %dma_wait3A_134] : memref<1000x128xf32, #tpu.memory_space<vmem_shared>> -> memref<40x128xf32, #tpu.memory_space<vmem_shared>>
        %dma_wait3A_136 = arith.constant 960 : i32
        %dma_wait3A_137 = arith.constant 0 : i32
        %dma_wait3A_138 = tpu.memref_slice %arg2[%dma_wait3A_136, %dma_wait3A_137] : memref<1000x128xf32, #tpu.memory_space<hbm>> -> memref<40x128xf32, #tpu.memory_space<hbm>>
        tpu.wait_dma2 semaphore(%run_scoped3A : memref<!tpu.dma_semaphore, #tpu.memory_space<semaphore_mem>>) src(%dma_wait3A_138 : memref<40x128xf32, #tpu.memory_space<hbm>>) dst(%dma_wait3A_135 : memref<40x128xf32, #tpu.memory_space<vmem_shared>>)
        tpu.yield
      }) : () -> ()
    } else {
    }
    %mul3A_7 = arith.constant 320 : i32
    %mul3A_8 = arith.muli %add3A, %mul3A_7 : i32
    "tpu.region"() ({
      %run_scoped3A = tpu.sem_alloc : memref<!tpu.dma_semaphore, #tpu.memory_space<semaphore_mem>>
      %dma_start3A_127 = tpu.memref_slice %arg3[%mul3A_8] : memref<10240xi32, #tpu.memory_space<hbm>> -> memref<320xi32, #tpu.memory_space<hbm>>
      %dma_start3A_128 = tpu.memref_slice %arg3[%mul3A_8] : memref<10240xi32, #tpu.memory_space<hbm>> -> memref<320xi32, #tpu.memory_space<hbm>>
      tpu.enqueue_dma source(%dma_start3A_128 : memref<320xi32, #tpu.memory_space<hbm>>) target(%arg5 : memref<320xi32, #tpu.memory_space<vmem>>) target_semaphore(%run_scoped3A : memref<!tpu.dma_semaphore, #tpu.memory_space<semaphore_mem>>)
      %dma_wait3A_129 = tpu.memref_slice %arg3[%mul3A_8] : memref<10240xi32, #tpu.memory_space<hbm>> -> memref<320xi32, #tpu.memory_space<hbm>>
      %dma_wait3A_130 = tpu.memref_slice %arg3[%mul3A_8] : memref<10240xi32, #tpu.memory_space<hbm>> -> memref<320xi32, #tpu.memory_space<hbm>>
      tpu.wait_dma2 semaphore(%run_scoped3A : memref<!tpu.dma_semaphore, #tpu.memory_space<semaphore_mem>>) src(%dma_wait3A_130 : memref<320xi32, #tpu.memory_space<hbm>>) dst(%arg5 : memref<320xi32, #tpu.memory_space<vmem>>)
      tpu.yield
    }) : () -> ()
    %barrier3A = arith.constant 0 : index
    tpu.barrier barrier_id(%barrier3A)
    %dma_start3A = arith.constant 0 : i32
    %dma_start3A_9 = arith.constant 0 : i32
    %dma_start3A_10 = tpu.memref_slice %arg6[%dma_start3A, %dma_start3A_9] : memref<320x128xf32, #tpu.memory_space<vmem>> -> memref<112x128xf32, #tpu.memory_space<vmem>>
    %dma_start3A_11 = arith.constant 0 : i32
    %dma_start3A_12 = tpu.memref_slice %arg5[%dma_start3A_11] : memref<320xi32, #tpu.memory_space<vmem>> -> memref<112xi32, #tpu.memory_space<vmem>>
    %dma_start3A_13 = arith.constant 0 : i32
    %dma_start3A_14 = arith.constant 0 : i32
    %dma_start3A_15 = tpu.memref_slice %arg7[%dma_start3A_13, %dma_start3A_14] : memref<1000x128xf32, #tpu.memory_space<vmem_shared>> -> memref<1000x128xf32, #tpu.memory_space<vmem_shared>>
    tpu.enqueue_indirect_dma source(%dma_start3A_15 : memref<1000x128xf32, #tpu.memory_space<vmem_shared>>) target(%dma_start3A_10 : memref<112x128xf32, #tpu.memory_space<vmem>>) offsets(%dma_start3A_12 : memref<112xi32, #tpu.memory_space<vmem>>) semaphore(%arg8 : memref<!tpu.dma_semaphore, #tpu.memory_space<semaphore_mem>>)
    %dma_start3A_16 = arith.constant 112 : i32
    %dma_start3A_17 = arith.constant 0 : i32
    %dma_start3A_18 = tpu.memref_slice %arg6[%dma_start3A_16, %dma_start3A_17] : memref<320x128xf32, #tpu.memory_space<vmem>> -> memref<112x128xf32, #tpu.memory_space<vmem>>
    %dma_start3A_19 = arith.constant 112 : i32
    %dma_start3A_20 = tpu.memref_slice %arg5[%dma_start3A_19] : memref<320xi32, #tpu.memory_space<vmem>> -> memref<112xi32, #tpu.memory_space<vmem>>
    %dma_start3A_21 = arith.constant 0 : i32
    %dma_start3A_22 = arith.constant 0 : i32
    %dma_start3A_23 = tpu.memref_slice %arg7[%dma_start3A_21, %dma_start3A_22] : memref<1000x128xf32, #tpu.memory_space<vmem_shared>> -> memref<1000x128xf32, #tpu.memory_space<vmem_shared>>
    tpu.enqueue_indirect_dma source(%dma_start3A_23 : memref<1000x128xf32, #tpu.memory_space<vmem_shared>>) target(%dma_start3A_18 : memref<112x128xf32, #tpu.memory_space<vmem>>) offsets(%dma_start3A_20 : memref<112xi32, #tpu.memory_space<vmem>>) semaphore(%arg8 : memref<!tpu.dma_semaphore, #tpu.memory_space<semaphore_mem>>)
    %dma_start3A_24 = arith.constant 224 : i32
    %dma_start3A_25 = arith.constant 0 : i32
    %dma_start3A_26 = tpu.memref_slice %arg6[%dma_start3A_24, %dma_start3A_25] : memref<320x128xf32, #tpu.memory_space<vmem>> -> memref<96x128xf32, #tpu.memory_space<vmem>>
    %dma_start3A_27 = arith.constant 224 : i32
    %dma_start3A_28 = tpu.memref_slice %arg5[%dma_start3A_27] : memref<320xi32, #tpu.memory_space<vmem>> -> memref<96xi32, #tpu.memory_space<vmem>>
    %dma_start3A_29 = arith.constant 0 : i32
    %dma_start3A_30 = arith.constant 0 : i32
    %dma_start3A_31 = tpu.memref_slice %arg7[%dma_start3A_29, %dma_start3A_30] : memref<1000x128xf32, #tpu.memory_space<vmem_shared>> -> memref<1000x128xf32, #tpu.memory_space<vmem_shared>>
    tpu.enqueue_indirect_dma source(%dma_start3A_31 : memref<1000x128xf32, #tpu.memory_space<vmem_shared>>) target(%dma_start3A_26 : memref<96x128xf32, #tpu.memory_space<vmem>>) offsets(%dma_start3A_28 : memref<96xi32, #tpu.memory_space<vmem>>) semaphore(%arg8 : memref<!tpu.dma_semaphore, #tpu.memory_space<semaphore_mem>>)
    %dma_wait3A = arith.constant 0 : i32
    %dma_wait3A_32 = arith.constant 0 : i32
    %dma_wait3A_33 = tpu.memref_slice %arg6[%dma_wait3A, %dma_wait3A_32] : memref<320x128xf32, #tpu.memory_space<vmem>> -> memref<112x128xf32, #tpu.memory_space<vmem>>
    %dma_wait3A_34 = arith.constant 0 : i32
    %dma_wait3A_35 = tpu.memref_slice %arg5[%dma_wait3A_34] : memref<320xi32, #tpu.memory_space<vmem>> -> memref<112xi32, #tpu.memory_space<vmem>>
    %dma_wait3A_36 = arith.constant 0 : i32
    %dma_wait3A_37 = arith.constant 0 : i32
    %dma_wait3A_38 = tpu.memref_slice %arg7[%dma_wait3A_36, %dma_wait3A_37] : memref<1000x128xf32, #tpu.memory_space<vmem_shared>> -> memref<1000x128xf32, #tpu.memory_space<vmem_shared>>
    tpu.wait_indirect_dma semaphore(%arg8 : memref<!tpu.dma_semaphore, #tpu.memory_space<semaphore_mem>>) src(%dma_wait3A_38 : memref<1000x128xf32, #tpu.memory_space<vmem_shared>>) dst(%dma_wait3A_33 : memref<112x128xf32, #tpu.memory_space<vmem>>)
    %mul3A_39 = arith.constant 320 : i32
    %mul3A_40 = arith.muli %add3A, %mul3A_39 : i32
    %add3A_41 = arith.constant 0 : i32
    %add3A_42 = arith.addi %mul3A_40, %add3A_41 : i32
    %dma_start3A_43 = arith.constant 0 : i32
    %dma_start3A_44 = arith.constant 0 : i32
    %dma_start3A_45 = tpu.memref_slice %arg6[%dma_start3A_43, %dma_start3A_44] : memref<320x128xf32, #tpu.memory_space<vmem>> -> memref<112x128xf32, #tpu.memory_space<vmem>>
    %dma_start3A_46 = arith.constant 0 : i32
    %dma_start3A_47 = tpu.memref_slice %arg4[%add3A_42, %dma_start3A_46] : memref<10240x128xf32, #tpu.memory_space<hbm>> -> memref<112x128xf32, #tpu.memory_space<hbm>>
    %dma_start3A_48 = arith.constant 0 : i32
    %dma_start3A_49 = tpu.memref_slice %arg4[%add3A_42, %dma_start3A_48] : memref<10240x128xf32, #tpu.memory_space<hbm>> -> memref<112x128xf32, #tpu.memory_space<hbm>>
    %dma_start3A_50 = arith.constant 0 : i32
    %dma_start3A_51 = arith.constant 0 : i32
    %dma_start3A_52 = tpu.memref_slice %arg6[%dma_start3A_50, %dma_start3A_51] : memref<320x128xf32, #tpu.memory_space<vmem>> -> memref<112x128xf32, #tpu.memory_space<vmem>>
    tpu.enqueue_dma source(%dma_start3A_52 : memref<112x128xf32, #tpu.memory_space<vmem>>) target(%dma_start3A_49 : memref<112x128xf32, #tpu.memory_space<hbm>>) target_semaphore(%arg9 : memref<!tpu.dma_semaphore, #tpu.memory_space<semaphore_mem>>)
    %dma_wait3A_53 = arith.constant 112 : i32
    %dma_wait3A_54 = arith.constant 0 : i32
    %dma_wait3A_55 = tpu.memref_slice %arg6[%dma_wait3A_53, %dma_wait3A_54] : memref<320x128xf32, #tpu.memory_space<vmem>> -> memref<112x128xf32, #tpu.memory_space<vmem>>
    %dma_wait3A_56 = arith.constant 112 : i32
    %dma_wait3A_57 = tpu.memref_slice %arg5[%dma_wait3A_56] : memref<320xi32, #tpu.memory_space<vmem>> -> memref<112xi32, #tpu.memory_space<vmem>>
    %dma_wait3A_58 = arith.constant 0 : i32
    %dma_wait3A_59 = arith.constant 0 : i32
    %dma_wait3A_60 = tpu.memref_slice %arg7[%dma_wait3A_58, %dma_wait3A_59] : memref<1000x128xf32, #tpu.memory_space<vmem_shared>> -> memref<1000x128xf32, #tpu.memory_space<vmem_shared>>
    tpu.wait_indirect_dma semaphore(%arg8 : memref<!tpu.dma_semaphore, #tpu.memory_space<semaphore_mem>>) src(%dma_wait3A_60 : memref<1000x128xf32, #tpu.memory_space<vmem_shared>>) dst(%dma_wait3A_55 : memref<112x128xf32, #tpu.memory_space<vmem>>)
    %mul3A_61 = arith.constant 320 : i32
    %mul3A_62 = arith.muli %add3A, %mul3A_61 : i32
    %add3A_63 = arith.constant 112 : i32
    %add3A_64 = arith.addi %mul3A_62, %add3A_63 : i32
    %dma_start3A_65 = arith.constant 112 : i32
    %dma_start3A_66 = arith.constant 0 : i32
    %dma_start3A_67 = tpu.memref_slice %arg6[%dma_start3A_65, %dma_start3A_66] : memref<320x128xf32, #tpu.memory_space<vmem>> -> memref<112x128xf32, #tpu.memory_space<vmem>>
    %dma_start3A_68 = arith.constant 0 : i32
    %dma_start3A_69 = tpu.memref_slice %arg4[%add3A_64, %dma_start3A_68] : memref<10240x128xf32, #tpu.memory_space<hbm>> -> memref<112x128xf32, #tpu.memory_space<hbm>>
    %dma_start3A_70 = arith.constant 0 : i32
    %dma_start3A_71 = tpu.memref_slice %arg4[%add3A_64, %dma_start3A_70] : memref<10240x128xf32, #tpu.memory_space<hbm>> -> memref<112x128xf32, #tpu.memory_space<hbm>>
    %dma_start3A_72 = arith.constant 112 : i32
    %dma_start3A_73 = arith.constant 0 : i32
    %dma_start3A_74 = tpu.memref_slice %arg6[%dma_start3A_72, %dma_start3A_73] : memref<320x128xf32, #tpu.memory_space<vmem>> -> memref<112x128xf32, #tpu.memory_space<vmem>>
    tpu.enqueue_dma source(%dma_start3A_74 : memref<112x128xf32, #tpu.memory_space<vmem>>) target(%dma_start3A_71 : memref<112x128xf32, #tpu.memory_space<hbm>>) target_semaphore(%arg9 : memref<!tpu.dma_semaphore, #tpu.memory_space<semaphore_mem>>)
    %dma_wait3A_75 = arith.constant 224 : i32
    %dma_wait3A_76 = arith.constant 0 : i32
    %dma_wait3A_77 = tpu.memref_slice %arg6[%dma_wait3A_75, %dma_wait3A_76] : memref<320x128xf32, #tpu.memory_space<vmem>> -> memref<96x128xf32, #tpu.memory_space<vmem>>
    %dma_wait3A_78 = arith.constant 224 : i32
    %dma_wait3A_79 = tpu.memref_slice %arg5[%dma_wait3A_78] : memref<320xi32, #tpu.memory_space<vmem>> -> memref<96xi32, #tpu.memory_space<vmem>>
    %dma_wait3A_80 = arith.constant 0 : i32
    %dma_wait3A_81 = arith.constant 0 : i32
    %dma_wait3A_82 = tpu.memref_slice %arg7[%dma_wait3A_80, %dma_wait3A_81] : memref<1000x128xf32, #tpu.memory_space<vmem_shared>> -> memref<1000x128xf32, #tpu.memory_space<vmem_shared>>
    tpu.wait_indirect_dma semaphore(%arg8 : memref<!tpu.dma_semaphore, #tpu.memory_space<semaphore_mem>>) src(%dma_wait3A_82 : memref<1000x128xf32, #tpu.memory_space<vmem_shared>>) dst(%dma_wait3A_77 : memref<96x128xf32, #tpu.memory_space<vmem>>)
    %mul3A_83 = arith.constant 320 : i32
    %mul3A_84 = arith.muli %add3A, %mul3A_83 : i32
    %add3A_85 = arith.constant 224 : i32
    %add3A_86 = arith.addi %mul3A_84, %add3A_85 : i32
    %dma_start3A_87 = arith.constant 224 : i32
    %dma_start3A_88 = arith.constant 0 : i32
    %dma_start3A_89 = tpu.memref_slice %arg6[%dma_start3A_87, %dma_start3A_88] : memref<320x128xf32, #tpu.memory_space<vmem>> -> memref<96x128xf32, #tpu.memory_space<vmem>>
    %dma_start3A_90 = arith.constant 0 : i32
    %dma_start3A_91 = tpu.memref_slice %arg4[%add3A_86, %dma_start3A_90] : memref<10240x128xf32, #tpu.memory_space<hbm>> -> memref<96x128xf32, #tpu.memory_space<hbm>>
    %dma_start3A_92 = arith.constant 0 : i32
    %dma_start3A_93 = tpu.memref_slice %arg4[%add3A_86, %dma_start3A_92] : memref<10240x128xf32, #tpu.memory_space<hbm>> -> memref<96x128xf32, #tpu.memory_space<hbm>>
    %dma_start3A_94 = arith.constant 224 : i32
    %dma_start3A_95 = arith.constant 0 : i32
    %dma_start3A_96 = tpu.memref_slice %arg6[%dma_start3A_94, %dma_start3A_95] : memref<320x128xf32, #tpu.memory_space<vmem>> -> memref<96x128xf32, #tpu.memory_space<vmem>>
    tpu.enqueue_dma source(%dma_start3A_96 : memref<96x128xf32, #tpu.memory_space<vmem>>) target(%dma_start3A_93 : memref<96x128xf32, #tpu.memory_space<hbm>>) target_semaphore(%arg9 : memref<!tpu.dma_semaphore, #tpu.memory_space<semaphore_mem>>)
    %dma_wait3A_97 = arith.constant 0 : i32
    %dma_wait3A_98 = arith.constant 0 : i32
    %dma_wait3A_99 = tpu.memref_slice %arg6[%dma_wait3A_97, %dma_wait3A_98] : memref<320x128xf32, #tpu.memory_space<vmem>> -> memref<112x128xf32, #tpu.memory_space<vmem>>
    %dma_wait3A_100 = arith.constant 0 : i32
    %dma_wait3A_101 = tpu.memref_slice %arg4[%add3A_42, %dma_wait3A_100] : memref<10240x128xf32, #tpu.memory_space<hbm>> -> memref<112x128xf32, #tpu.memory_space<hbm>>
    %dma_wait3A_102 = arith.constant 0 : i32
    %dma_wait3A_103 = tpu.memref_slice %arg4[%add3A_42, %dma_wait3A_102] : memref<10240x128xf32, #tpu.memory_space<hbm>> -> memref<112x128xf32, #tpu.memory_space<hbm>>
    %dma_wait3A_104 = arith.constant 0 : i32
    %dma_wait3A_105 = arith.constant 0 : i32
    %dma_wait3A_106 = tpu.memref_slice %arg6[%dma_wait3A_104, %dma_wait3A_105] : memref<320x128xf32, #tpu.memory_space<vmem>> -> memref<112x128xf32, #tpu.memory_space<vmem>>
    tpu.wait_dma2 semaphore(%arg9 : memref<!tpu.dma_semaphore, #tpu.memory_space<semaphore_mem>>) src(%dma_wait3A_106 : memref<112x128xf32, #tpu.memory_space<vmem>>) dst(%dma_wait3A_103 : memref<112x128xf32, #tpu.memory_space<hbm>>)
    %dma_wait3A_107 = arith.constant 112 : i32
    %dma_wait3A_108 = arith.constant 0 : i32
    %dma_wait3A_109 = tpu.memref_slice %arg6[%dma_wait3A_107, %dma_wait3A_108] : memref<320x128xf32, #tpu.memory_space<vmem>> -> memref<112x128xf32, #tpu.memory_space<vmem>>
    %dma_wait3A_110 = arith.constant 0 : i32
    %dma_wait3A_111 = tpu.memref_slice %arg4[%add3A_64, %dma_wait3A_110] : memref<10240x128xf32, #tpu.memory_space<hbm>> -> memref<112x128xf32, #tpu.memory_space<hbm>>
    %dma_wait3A_112 = arith.constant 0 : i32
    %dma_wait3A_113 = tpu.memref_slice %arg4[%add3A_64, %dma_wait3A_112] : memref<10240x128xf32, #tpu.memory_space<hbm>> -> memref<112x128xf32, #tpu.memory_space<hbm>>
    %dma_wait3A_114 = arith.constant 112 : i32
    %dma_wait3A_115 = arith.constant 0 : i32
    %dma_wait3A_116 = tpu.memref_slice %arg6[%dma_wait3A_114, %dma_wait3A_115] : memref<320x128xf32, #tpu.memory_space<vmem>> -> memref<112x128xf32, #tpu.memory_space<vmem>>
    tpu.wait_dma2 semaphore(%arg9 : memref<!tpu.dma_semaphore, #tpu.memory_space<semaphore_mem>>) src(%dma_wait3A_116 : memref<112x128xf32, #tpu.memory_space<vmem>>) dst(%dma_wait3A_113 : memref<112x128xf32, #tpu.memory_space<hbm>>)
    %dma_wait3A_117 = arith.constant 224 : i32
    %dma_wait3A_118 = arith.constant 0 : i32
    %dma_wait3A_119 = tpu.memref_slice %arg6[%dma_wait3A_117, %dma_wait3A_118] : memref<320x128xf32, #tpu.memory_space<vmem>> -> memref<96x128xf32, #tpu.memory_space<vmem>>
    %dma_wait3A_120 = arith.constant 0 : i32
    %dma_wait3A_121 = tpu.memref_slice %arg4[%add3A_86, %dma_wait3A_120] : memref<10240x128xf32, #tpu.memory_space<hbm>> -> memref<96x128xf32, #tpu.memory_space<hbm>>
    %dma_wait3A_122 = arith.constant 0 : i32
    %dma_wait3A_123 = tpu.memref_slice %arg4[%add3A_86, %dma_wait3A_122] : memref<10240x128xf32, #tpu.memory_space<hbm>> -> memref<96x128xf32, #tpu.memory_space<hbm>>
    %dma_wait3A_124 = arith.constant 224 : i32
    %dma_wait3A_125 = arith.constant 0 : i32
    %dma_wait3A_126 = tpu.memref_slice %arg6[%dma_wait3A_124, %dma_wait3A_125] : memref<320x128xf32, #tpu.memory_space<vmem>> -> memref<96x128xf32, #tpu.memory_space<vmem>>
    tpu.wait_dma2 semaphore(%arg9 : memref<!tpu.dma_semaphore, #tpu.memory_space<semaphore_mem>>) src(%dma_wait3A_126 : memref<96x128xf32, #tpu.memory_space<vmem>>) dst(%dma_wait3A_123 : memref<96x128xf32, #tpu.memory_space<hbm>>)
    return
  }
}

module attributes {stable_mosaic.version = 14 : i64} {
  func.func @_topk_body(%arg0: memref<1024x128xf32, #tpu.memory_space<vmem>>, %arg1: memref<1000x128xf32, #tpu.memory_space<vmem>>, %arg2: memref<1024x128xi32, #tpu.memory_space<vmem>>) attributes {dimension_semantics = [], scalar_prefetch = 0 : i64, scratch_operands = 0 : i64, tpu.core_type = #tpu.core_type<tc>} {
    %get3A = arith.constant 0 : index
    %get3A_0 = arith.constant 0 : index
    %get3A_1 = vector.load %arg0[%get3A, %get3A_0] : memref<1024x128xf32, #tpu.memory_space<vmem>>, vector<1024x128xf32>
    %get3A_2 = arith.constant 0 : index
    %get3A_3 = arith.constant 0 : index
    %get3A_4 = vector.load %arg1[%get3A_2, %get3A_3] : memref<1000x128xf32, #tpu.memory_space<vmem>>, vector<1000x128xf32>
    %dot_general3A = arith.constant dense<0.000000e+00> : vector<1024x1000xf32>
    %dot_general3A_5 = tpu.matmul %get3A_1, %get3A_4, %dot_general3A {dimension_numbers = #tpu.dot_dimension_numbers<[1], [1], [0], [0], [0, 0, 1, 0], [], []>, transpose_lhs_hint = false} : vector<1024x128xf32>, vector<1000x128xf32>, vector<1024x1000xf32> -> vector<1024x1000xf32>
    %mul3A = arith.mulf %get3A_1, %get3A_1 : vector<1024x128xf32>
    %reduce_sum3A = arith.constant dense<0.000000e+00> : vector<1024xf32>
    %reduce_sum3A_6 = vector.multi_reduction <add>, %mul3A, %reduce_sum3A [1] : vector<1024x128xf32> to vector<1024xf32>
    %broadcast_in_dim3A = vector.shape_cast %reduce_sum3A_6 : vector<1024xf32> to vector<1024x1xf32>
    %sqrt3A = math.sqrt %broadcast_in_dim3A : vector<1024x1xf32>
    %mul3A_7 = arith.mulf %get3A_4, %get3A_4 : vector<1000x128xf32>
    %reduce_sum3A_8 = arith.constant dense<0.000000e+00> : vector<1000xf32>
    %reduce_sum3A_9 = vector.multi_reduction <add>, %mul3A_7, %reduce_sum3A_8 [1] : vector<1000x128xf32> to vector<1000xf32>
    %broadcast_in_dim3A_10 = vector.shape_cast %reduce_sum3A_9 : vector<1000xf32> to vector<1000x1xf32>
    %sqrt3A_11 = math.sqrt %broadcast_in_dim3A_10 : vector<1000x1xf32>
    %reshape3A = vector.shape_cast %sqrt3A_11 : vector<1000x1xf32> to vector<1x1000xf32>
    %mul3A_12 = vector.broadcast %sqrt3A : vector<1024x1xf32> to vector<1024x1000xf32>
    %mul3A_13 = vector.broadcast %reshape3A : vector<1x1000xf32> to vector<1024x1000xf32>
    %mul3A_14 = arith.mulf %mul3A_12, %mul3A_13 : vector<1024x1000xf32>
    %max3A = arith.constant 9.99999993E-9 : f32
    %max3A_15 = vector.broadcast %max3A : f32 to vector<1024x1000xf32>
    %max3A_16 = arith.maximumf %mul3A_14, %max3A_15 : vector<1024x1000xf32>
    %div3A = arith.divf %dot_general3A_5, %max3A_16 : vector<1024x1000xf32>
    %broadcast_in_dim3A_17 = arith.constant 0xFF800000 : f32
    %broadcast_in_dim3A_18 = vector.broadcast %broadcast_in_dim3A_17 : f32 to vector<1024x24xf32>
    %concatenate3A = tpu.concatenate %div3A, %broadcast_in_dim3A_18 in 1 : vector<1024x1000xf32>, vector<1024x24xf32> -> vector<1024x1024xf32>
    %iota3A = tpu.iota {dimensions = array<i32: 1>} : vector<1024x1024xi32>
    %convert_element_type3A = arith.sitofp %iota3A : vector<1024x1024xi32> to vector<1024x1024xf32>
    %iota3A_19 = tpu.iota {dimensions = array<i32: 1>} : vector<1024x128xi32>
    %broadcast_in_dim3A_20 = arith.constant 0 : i32
    %broadcast_in_dim3A_21 = vector.broadcast %broadcast_in_dim3A_20 : i32 to vector<1024x128xi32>
    %reduce_max3A = arith.constant dense<0xFF800000> : vector<1024xf32>
    %reduce_max3A_22 = vector.multi_reduction <maximumf>, %concatenate3A, %reduce_max3A [1] : vector<1024x1024xf32> to vector<1024xf32>
    %broadcast_in_dim3A_23 = vector.shape_cast %reduce_max3A_22 : vector<1024xf32> to vector<1024x1xf32>
    %eq3A = vector.broadcast %broadcast_in_dim3A_23 : vector<1024x1xf32> to vector<1024x1024xf32>
    %eq3A_24 = arith.cmpf oeq, %concatenate3A, %eq3A : vector<1024x1024xf32>
    %jit3A = arith.constant 2.048000e+03 : f32
    %broadcast_in_dim3A_25 = vector.broadcast %jit3A : f32 to vector<1024x1024xf32>
    %select_n3A = arith.select %eq3A_24, %convert_element_type3A, %broadcast_in_dim3A_25 : vector<1024x1024xi1>, vector<1024x1024xf32>
    %reduce_min3A = arith.constant dense<0x7F800000> : vector<1024xf32>
    %reduce_min3A_26 = vector.multi_reduction <minimumf>, %select_n3A, %reduce_min3A [1] : vector<1024x1024xf32> to vector<1024xf32>
    %broadcast_in_dim3A_27 = vector.shape_cast %reduce_min3A_26 : vector<1024xf32> to vector<1024x1xf32>
    %convert_element_type3A_28 = arith.fptosi %broadcast_in_dim3A_27 : vector<1024x1xf32> to vector<1024x1xi32>
    %eq3A_29 = arith.constant 0 : i32
    %eq3A_30 = vector.broadcast %eq3A_29 : i32 to vector<1024x128xi32>
    %eq3A_31 = arith.cmpi eq, %iota3A_19, %eq3A_30 : vector<1024x128xi32>
    %broadcast_in_dim3A_32 = vector.shape_cast %convert_element_type3A_28 : vector<1024x1xi32> to vector<1024x1xi32>
    %broadcast_in_dim3A_33 = vector.broadcast %broadcast_in_dim3A_32 : vector<1024x1xi32> to vector<1024x128xi32>
    %select_n3A_34 = arith.select %eq3A_31, %broadcast_in_dim3A_33, %broadcast_in_dim3A_21 : vector<1024x128xi1>, vector<1024x128xi32>
    %eq3A_35 = vector.broadcast %broadcast_in_dim3A_27 : vector<1024x1xf32> to vector<1024x1024xf32>
    %eq3A_36 = arith.cmpf oeq, %convert_element_type3A, %eq3A_35 : vector<1024x1024xf32>
    %jit3A_37 = arith.constant 0xFF800000 : f32
    %broadcast_in_dim3A_38 = vector.broadcast %jit3A_37 : f32 to vector<1024x1024xf32>
    %select_n3A_39 = arith.select %eq3A_36, %broadcast_in_dim3A_38, %concatenate3A : vector<1024x1024xi1>, vector<1024x1024xf32>
    %reduce_max3A_40 = arith.constant dense<0xFF800000> : vector<1024xf32>
    %reduce_max3A_41 = vector.multi_reduction <maximumf>, %select_n3A_39, %reduce_max3A_40 [1] : vector<1024x1024xf32> to vector<1024xf32>
    %broadcast_in_dim3A_42 = vector.shape_cast %reduce_max3A_41 : vector<1024xf32> to vector<1024x1xf32>
    %eq3A_43 = vector.broadcast %broadcast_in_dim3A_42 : vector<1024x1xf32> to vector<1024x1024xf32>
    %eq3A_44 = arith.cmpf oeq, %select_n3A_39, %eq3A_43 : vector<1024x1024xf32>
    %jit3A_45 = arith.constant 2.048000e+03 : f32
    %broadcast_in_dim3A_46 = vector.broadcast %jit3A_45 : f32 to vector<1024x1024xf32>
    %select_n3A_47 = arith.select %eq3A_44, %convert_element_type3A, %broadcast_in_dim3A_46 : vector<1024x1024xi1>, vector<1024x1024xf32>
    %reduce_min3A_48 = arith.constant dense<0x7F800000> : vector<1024xf32>
    %reduce_min3A_49 = vector.multi_reduction <minimumf>, %select_n3A_47, %reduce_min3A_48 [1] : vector<1024x1024xf32> to vector<1024xf32>
    %broadcast_in_dim3A_50 = vector.shape_cast %reduce_min3A_49 : vector<1024xf32> to vector<1024x1xf32>
    %convert_element_type3A_51 = arith.fptosi %broadcast_in_dim3A_50 : vector<1024x1xf32> to vector<1024x1xi32>
    %eq3A_52 = arith.constant 1 : i32
    %eq3A_53 = vector.broadcast %eq3A_52 : i32 to vector<1024x128xi32>
    %eq3A_54 = arith.cmpi eq, %iota3A_19, %eq3A_53 : vector<1024x128xi32>
    %broadcast_in_dim3A_55 = vector.shape_cast %convert_element_type3A_51 : vector<1024x1xi32> to vector<1024x1xi32>
    %broadcast_in_dim3A_56 = vector.broadcast %broadcast_in_dim3A_55 : vector<1024x1xi32> to vector<1024x128xi32>
    %select_n3A_57 = arith.select %eq3A_54, %broadcast_in_dim3A_56, %select_n3A_34 : vector<1024x128xi1>, vector<1024x128xi32>
    %eq3A_58 = vector.broadcast %broadcast_in_dim3A_50 : vector<1024x1xf32> to vector<1024x1024xf32>
    %eq3A_59 = arith.cmpf oeq, %convert_element_type3A, %eq3A_58 : vector<1024x1024xf32>
    %jit3A_60 = arith.constant 0xFF800000 : f32
    %broadcast_in_dim3A_61 = vector.broadcast %jit3A_60 : f32 to vector<1024x1024xf32>
    %select_n3A_62 = arith.select %eq3A_59, %broadcast_in_dim3A_61, %select_n3A_39 : vector<1024x1024xi1>, vector<1024x1024xf32>
    %reduce_max3A_63 = arith.constant dense<0xFF800000> : vector<1024xf32>
    %reduce_max3A_64 = vector.multi_reduction <maximumf>, %select_n3A_62, %reduce_max3A_63 [1] : vector<1024x1024xf32> to vector<1024xf32>
    %broadcast_in_dim3A_65 = vector.shape_cast %reduce_max3A_64 : vector<1024xf32> to vector<1024x1xf32>
    %eq3A_66 = vector.broadcast %broadcast_in_dim3A_65 : vector<1024x1xf32> to vector<1024x1024xf32>
    %eq3A_67 = arith.cmpf oeq, %select_n3A_62, %eq3A_66 : vector<1024x1024xf32>
    %jit3A_68 = arith.constant 2.048000e+03 : f32
    %broadcast_in_dim3A_69 = vector.broadcast %jit3A_68 : f32 to vector<1024x1024xf32>
    %select_n3A_70 = arith.select %eq3A_67, %convert_element_type3A, %broadcast_in_dim3A_69 : vector<1024x1024xi1>, vector<1024x1024xf32>
    %reduce_min3A_71 = arith.constant dense<0x7F800000> : vector<1024xf32>
    %reduce_min3A_72 = vector.multi_reduction <minimumf>, %select_n3A_70, %reduce_min3A_71 [1] : vector<1024x1024xf32> to vector<1024xf32>
    %broadcast_in_dim3A_73 = vector.shape_cast %reduce_min3A_72 : vector<1024xf32> to vector<1024x1xf32>
    %convert_element_type3A_74 = arith.fptosi %broadcast_in_dim3A_73 : vector<1024x1xf32> to vector<1024x1xi32>
    %eq3A_75 = arith.constant 2 : i32
    %eq3A_76 = vector.broadcast %eq3A_75 : i32 to vector<1024x128xi32>
    %eq3A_77 = arith.cmpi eq, %iota3A_19, %eq3A_76 : vector<1024x128xi32>
    %broadcast_in_dim3A_78 = vector.shape_cast %convert_element_type3A_74 : vector<1024x1xi32> to vector<1024x1xi32>
    %broadcast_in_dim3A_79 = vector.broadcast %broadcast_in_dim3A_78 : vector<1024x1xi32> to vector<1024x128xi32>
    %select_n3A_80 = arith.select %eq3A_77, %broadcast_in_dim3A_79, %select_n3A_57 : vector<1024x128xi1>, vector<1024x128xi32>
    %eq3A_81 = vector.broadcast %broadcast_in_dim3A_73 : vector<1024x1xf32> to vector<1024x1024xf32>
    %eq3A_82 = arith.cmpf oeq, %convert_element_type3A, %eq3A_81 : vector<1024x1024xf32>
    %jit3A_83 = arith.constant 0xFF800000 : f32
    %broadcast_in_dim3A_84 = vector.broadcast %jit3A_83 : f32 to vector<1024x1024xf32>
    %select_n3A_85 = arith.select %eq3A_82, %broadcast_in_dim3A_84, %select_n3A_62 : vector<1024x1024xi1>, vector<1024x1024xf32>
    %reduce_max3A_86 = arith.constant dense<0xFF800000> : vector<1024xf32>
    %reduce_max3A_87 = vector.multi_reduction <maximumf>, %select_n3A_85, %reduce_max3A_86 [1] : vector<1024x1024xf32> to vector<1024xf32>
    %broadcast_in_dim3A_88 = vector.shape_cast %reduce_max3A_87 : vector<1024xf32> to vector<1024x1xf32>
    %eq3A_89 = vector.broadcast %broadcast_in_dim3A_88 : vector<1024x1xf32> to vector<1024x1024xf32>
    %eq3A_90 = arith.cmpf oeq, %select_n3A_85, %eq3A_89 : vector<1024x1024xf32>
    %jit3A_91 = arith.constant 2.048000e+03 : f32
    %broadcast_in_dim3A_92 = vector.broadcast %jit3A_91 : f32 to vector<1024x1024xf32>
    %select_n3A_93 = arith.select %eq3A_90, %convert_element_type3A, %broadcast_in_dim3A_92 : vector<1024x1024xi1>, vector<1024x1024xf32>
    %reduce_min3A_94 = arith.constant dense<0x7F800000> : vector<1024xf32>
    %reduce_min3A_95 = vector.multi_reduction <minimumf>, %select_n3A_93, %reduce_min3A_94 [1] : vector<1024x1024xf32> to vector<1024xf32>
    %broadcast_in_dim3A_96 = vector.shape_cast %reduce_min3A_95 : vector<1024xf32> to vector<1024x1xf32>
    %convert_element_type3A_97 = arith.fptosi %broadcast_in_dim3A_96 : vector<1024x1xf32> to vector<1024x1xi32>
    %eq3A_98 = arith.constant 3 : i32
    %eq3A_99 = vector.broadcast %eq3A_98 : i32 to vector<1024x128xi32>
    %eq3A_100 = arith.cmpi eq, %iota3A_19, %eq3A_99 : vector<1024x128xi32>
    %broadcast_in_dim3A_101 = vector.shape_cast %convert_element_type3A_97 : vector<1024x1xi32> to vector<1024x1xi32>
    %broadcast_in_dim3A_102 = vector.broadcast %broadcast_in_dim3A_101 : vector<1024x1xi32> to vector<1024x128xi32>
    %select_n3A_103 = arith.select %eq3A_100, %broadcast_in_dim3A_102, %select_n3A_80 : vector<1024x128xi1>, vector<1024x128xi32>
    %eq3A_104 = vector.broadcast %broadcast_in_dim3A_96 : vector<1024x1xf32> to vector<1024x1024xf32>
    %eq3A_105 = arith.cmpf oeq, %convert_element_type3A, %eq3A_104 : vector<1024x1024xf32>
    %jit3A_106 = arith.constant 0xFF800000 : f32
    %broadcast_in_dim3A_107 = vector.broadcast %jit3A_106 : f32 to vector<1024x1024xf32>
    %select_n3A_108 = arith.select %eq3A_105, %broadcast_in_dim3A_107, %select_n3A_85 : vector<1024x1024xi1>, vector<1024x1024xf32>
    %reduce_max3A_109 = arith.constant dense<0xFF800000> : vector<1024xf32>
    %reduce_max3A_110 = vector.multi_reduction <maximumf>, %select_n3A_108, %reduce_max3A_109 [1] : vector<1024x1024xf32> to vector<1024xf32>
    %broadcast_in_dim3A_111 = vector.shape_cast %reduce_max3A_110 : vector<1024xf32> to vector<1024x1xf32>
    %eq3A_112 = vector.broadcast %broadcast_in_dim3A_111 : vector<1024x1xf32> to vector<1024x1024xf32>
    %eq3A_113 = arith.cmpf oeq, %select_n3A_108, %eq3A_112 : vector<1024x1024xf32>
    %jit3A_114 = arith.constant 2.048000e+03 : f32
    %broadcast_in_dim3A_115 = vector.broadcast %jit3A_114 : f32 to vector<1024x1024xf32>
    %select_n3A_116 = arith.select %eq3A_113, %convert_element_type3A, %broadcast_in_dim3A_115 : vector<1024x1024xi1>, vector<1024x1024xf32>
    %reduce_min3A_117 = arith.constant dense<0x7F800000> : vector<1024xf32>
    %reduce_min3A_118 = vector.multi_reduction <minimumf>, %select_n3A_116, %reduce_min3A_117 [1] : vector<1024x1024xf32> to vector<1024xf32>
    %broadcast_in_dim3A_119 = vector.shape_cast %reduce_min3A_118 : vector<1024xf32> to vector<1024x1xf32>
    %convert_element_type3A_120 = arith.fptosi %broadcast_in_dim3A_119 : vector<1024x1xf32> to vector<1024x1xi32>
    %eq3A_121 = arith.constant 4 : i32
    %eq3A_122 = vector.broadcast %eq3A_121 : i32 to vector<1024x128xi32>
    %eq3A_123 = arith.cmpi eq, %iota3A_19, %eq3A_122 : vector<1024x128xi32>
    %broadcast_in_dim3A_124 = vector.shape_cast %convert_element_type3A_120 : vector<1024x1xi32> to vector<1024x1xi32>
    %broadcast_in_dim3A_125 = vector.broadcast %broadcast_in_dim3A_124 : vector<1024x1xi32> to vector<1024x128xi32>
    %select_n3A_126 = arith.select %eq3A_123, %broadcast_in_dim3A_125, %select_n3A_103 : vector<1024x128xi1>, vector<1024x128xi32>
    %eq3A_127 = vector.broadcast %broadcast_in_dim3A_119 : vector<1024x1xf32> to vector<1024x1024xf32>
    %eq3A_128 = arith.cmpf oeq, %convert_element_type3A, %eq3A_127 : vector<1024x1024xf32>
    %jit3A_129 = arith.constant 0xFF800000 : f32
    %broadcast_in_dim3A_130 = vector.broadcast %jit3A_129 : f32 to vector<1024x1024xf32>
    %select_n3A_131 = arith.select %eq3A_128, %broadcast_in_dim3A_130, %select_n3A_108 : vector<1024x1024xi1>, vector<1024x1024xf32>
    %reduce_max3A_132 = arith.constant dense<0xFF800000> : vector<1024xf32>
    %reduce_max3A_133 = vector.multi_reduction <maximumf>, %select_n3A_131, %reduce_max3A_132 [1] : vector<1024x1024xf32> to vector<1024xf32>
    %broadcast_in_dim3A_134 = vector.shape_cast %reduce_max3A_133 : vector<1024xf32> to vector<1024x1xf32>
    %eq3A_135 = vector.broadcast %broadcast_in_dim3A_134 : vector<1024x1xf32> to vector<1024x1024xf32>
    %eq3A_136 = arith.cmpf oeq, %select_n3A_131, %eq3A_135 : vector<1024x1024xf32>
    %jit3A_137 = arith.constant 2.048000e+03 : f32
    %broadcast_in_dim3A_138 = vector.broadcast %jit3A_137 : f32 to vector<1024x1024xf32>
    %select_n3A_139 = arith.select %eq3A_136, %convert_element_type3A, %broadcast_in_dim3A_138 : vector<1024x1024xi1>, vector<1024x1024xf32>
    %reduce_min3A_140 = arith.constant dense<0x7F800000> : vector<1024xf32>
    %reduce_min3A_141 = vector.multi_reduction <minimumf>, %select_n3A_139, %reduce_min3A_140 [1] : vector<1024x1024xf32> to vector<1024xf32>
    %broadcast_in_dim3A_142 = vector.shape_cast %reduce_min3A_141 : vector<1024xf32> to vector<1024x1xf32>
    %convert_element_type3A_143 = arith.fptosi %broadcast_in_dim3A_142 : vector<1024x1xf32> to vector<1024x1xi32>
    %eq3A_144 = arith.constant 5 : i32
    %eq3A_145 = vector.broadcast %eq3A_144 : i32 to vector<1024x128xi32>
    %eq3A_146 = arith.cmpi eq, %iota3A_19, %eq3A_145 : vector<1024x128xi32>
    %broadcast_in_dim3A_147 = vector.shape_cast %convert_element_type3A_143 : vector<1024x1xi32> to vector<1024x1xi32>
    %broadcast_in_dim3A_148 = vector.broadcast %broadcast_in_dim3A_147 : vector<1024x1xi32> to vector<1024x128xi32>
    %select_n3A_149 = arith.select %eq3A_146, %broadcast_in_dim3A_148, %select_n3A_126 : vector<1024x128xi1>, vector<1024x128xi32>
    %eq3A_150 = vector.broadcast %broadcast_in_dim3A_142 : vector<1024x1xf32> to vector<1024x1024xf32>
    %eq3A_151 = arith.cmpf oeq, %convert_element_type3A, %eq3A_150 : vector<1024x1024xf32>
    %jit3A_152 = arith.constant 0xFF800000 : f32
    %broadcast_in_dim3A_153 = vector.broadcast %jit3A_152 : f32 to vector<1024x1024xf32>
    %select_n3A_154 = arith.select %eq3A_151, %broadcast_in_dim3A_153, %select_n3A_131 : vector<1024x1024xi1>, vector<1024x1024xf32>
    %reduce_max3A_155 = arith.constant dense<0xFF800000> : vector<1024xf32>
    %reduce_max3A_156 = vector.multi_reduction <maximumf>, %select_n3A_154, %reduce_max3A_155 [1] : vector<1024x1024xf32> to vector<1024xf32>
    %broadcast_in_dim3A_157 = vector.shape_cast %reduce_max3A_156 : vector<1024xf32> to vector<1024x1xf32>
    %eq3A_158 = vector.broadcast %broadcast_in_dim3A_157 : vector<1024x1xf32> to vector<1024x1024xf32>
    %eq3A_159 = arith.cmpf oeq, %select_n3A_154, %eq3A_158 : vector<1024x1024xf32>
    %jit3A_160 = arith.constant 2.048000e+03 : f32
    %broadcast_in_dim3A_161 = vector.broadcast %jit3A_160 : f32 to vector<1024x1024xf32>
    %select_n3A_162 = arith.select %eq3A_159, %convert_element_type3A, %broadcast_in_dim3A_161 : vector<1024x1024xi1>, vector<1024x1024xf32>
    %reduce_min3A_163 = arith.constant dense<0x7F800000> : vector<1024xf32>
    %reduce_min3A_164 = vector.multi_reduction <minimumf>, %select_n3A_162, %reduce_min3A_163 [1] : vector<1024x1024xf32> to vector<1024xf32>
    %broadcast_in_dim3A_165 = vector.shape_cast %reduce_min3A_164 : vector<1024xf32> to vector<1024x1xf32>
    %convert_element_type3A_166 = arith.fptosi %broadcast_in_dim3A_165 : vector<1024x1xf32> to vector<1024x1xi32>
    %eq3A_167 = arith.constant 6 : i32
    %eq3A_168 = vector.broadcast %eq3A_167 : i32 to vector<1024x128xi32>
    %eq3A_169 = arith.cmpi eq, %iota3A_19, %eq3A_168 : vector<1024x128xi32>
    %broadcast_in_dim3A_170 = vector.shape_cast %convert_element_type3A_166 : vector<1024x1xi32> to vector<1024x1xi32>
    %broadcast_in_dim3A_171 = vector.broadcast %broadcast_in_dim3A_170 : vector<1024x1xi32> to vector<1024x128xi32>
    %select_n3A_172 = arith.select %eq3A_169, %broadcast_in_dim3A_171, %select_n3A_149 : vector<1024x128xi1>, vector<1024x128xi32>
    %eq3A_173 = vector.broadcast %broadcast_in_dim3A_165 : vector<1024x1xf32> to vector<1024x1024xf32>
    %eq3A_174 = arith.cmpf oeq, %convert_element_type3A, %eq3A_173 : vector<1024x1024xf32>
    %jit3A_175 = arith.constant 0xFF800000 : f32
    %broadcast_in_dim3A_176 = vector.broadcast %jit3A_175 : f32 to vector<1024x1024xf32>
    %select_n3A_177 = arith.select %eq3A_174, %broadcast_in_dim3A_176, %select_n3A_154 : vector<1024x1024xi1>, vector<1024x1024xf32>
    %reduce_max3A_178 = arith.constant dense<0xFF800000> : vector<1024xf32>
    %reduce_max3A_179 = vector.multi_reduction <maximumf>, %select_n3A_177, %reduce_max3A_178 [1] : vector<1024x1024xf32> to vector<1024xf32>
    %broadcast_in_dim3A_180 = vector.shape_cast %reduce_max3A_179 : vector<1024xf32> to vector<1024x1xf32>
    %eq3A_181 = vector.broadcast %broadcast_in_dim3A_180 : vector<1024x1xf32> to vector<1024x1024xf32>
    %eq3A_182 = arith.cmpf oeq, %select_n3A_177, %eq3A_181 : vector<1024x1024xf32>
    %jit3A_183 = arith.constant 2.048000e+03 : f32
    %broadcast_in_dim3A_184 = vector.broadcast %jit3A_183 : f32 to vector<1024x1024xf32>
    %select_n3A_185 = arith.select %eq3A_182, %convert_element_type3A, %broadcast_in_dim3A_184 : vector<1024x1024xi1>, vector<1024x1024xf32>
    %reduce_min3A_186 = arith.constant dense<0x7F800000> : vector<1024xf32>
    %reduce_min3A_187 = vector.multi_reduction <minimumf>, %select_n3A_185, %reduce_min3A_186 [1] : vector<1024x1024xf32> to vector<1024xf32>
    %broadcast_in_dim3A_188 = vector.shape_cast %reduce_min3A_187 : vector<1024xf32> to vector<1024x1xf32>
    %convert_element_type3A_189 = arith.fptosi %broadcast_in_dim3A_188 : vector<1024x1xf32> to vector<1024x1xi32>
    %eq3A_190 = arith.constant 7 : i32
    %eq3A_191 = vector.broadcast %eq3A_190 : i32 to vector<1024x128xi32>
    %eq3A_192 = arith.cmpi eq, %iota3A_19, %eq3A_191 : vector<1024x128xi32>
    %broadcast_in_dim3A_193 = vector.shape_cast %convert_element_type3A_189 : vector<1024x1xi32> to vector<1024x1xi32>
    %broadcast_in_dim3A_194 = vector.broadcast %broadcast_in_dim3A_193 : vector<1024x1xi32> to vector<1024x128xi32>
    %select_n3A_195 = arith.select %eq3A_192, %broadcast_in_dim3A_194, %select_n3A_172 : vector<1024x128xi1>, vector<1024x128xi32>
    %eq3A_196 = vector.broadcast %broadcast_in_dim3A_188 : vector<1024x1xf32> to vector<1024x1024xf32>
    %eq3A_197 = arith.cmpf oeq, %convert_element_type3A, %eq3A_196 : vector<1024x1024xf32>
    %jit3A_198 = arith.constant 0xFF800000 : f32
    %broadcast_in_dim3A_199 = vector.broadcast %jit3A_198 : f32 to vector<1024x1024xf32>
    %select_n3A_200 = arith.select %eq3A_197, %broadcast_in_dim3A_199, %select_n3A_177 : vector<1024x1024xi1>, vector<1024x1024xf32>
    %reduce_max3A_201 = arith.constant dense<0xFF800000> : vector<1024xf32>
    %reduce_max3A_202 = vector.multi_reduction <maximumf>, %select_n3A_200, %reduce_max3A_201 [1] : vector<1024x1024xf32> to vector<1024xf32>
    %broadcast_in_dim3A_203 = vector.shape_cast %reduce_max3A_202 : vector<1024xf32> to vector<1024x1xf32>
    %eq3A_204 = vector.broadcast %broadcast_in_dim3A_203 : vector<1024x1xf32> to vector<1024x1024xf32>
    %eq3A_205 = arith.cmpf oeq, %select_n3A_200, %eq3A_204 : vector<1024x1024xf32>
    %jit3A_206 = arith.constant 2.048000e+03 : f32
    %broadcast_in_dim3A_207 = vector.broadcast %jit3A_206 : f32 to vector<1024x1024xf32>
    %select_n3A_208 = arith.select %eq3A_205, %convert_element_type3A, %broadcast_in_dim3A_207 : vector<1024x1024xi1>, vector<1024x1024xf32>
    %reduce_min3A_209 = arith.constant dense<0x7F800000> : vector<1024xf32>
    %reduce_min3A_210 = vector.multi_reduction <minimumf>, %select_n3A_208, %reduce_min3A_209 [1] : vector<1024x1024xf32> to vector<1024xf32>
    %broadcast_in_dim3A_211 = vector.shape_cast %reduce_min3A_210 : vector<1024xf32> to vector<1024x1xf32>
    %convert_element_type3A_212 = arith.fptosi %broadcast_in_dim3A_211 : vector<1024x1xf32> to vector<1024x1xi32>
    %eq3A_213 = arith.constant 8 : i32
    %eq3A_214 = vector.broadcast %eq3A_213 : i32 to vector<1024x128xi32>
    %eq3A_215 = arith.cmpi eq, %iota3A_19, %eq3A_214 : vector<1024x128xi32>
    %broadcast_in_dim3A_216 = vector.shape_cast %convert_element_type3A_212 : vector<1024x1xi32> to vector<1024x1xi32>
    %broadcast_in_dim3A_217 = vector.broadcast %broadcast_in_dim3A_216 : vector<1024x1xi32> to vector<1024x128xi32>
    %select_n3A_218 = arith.select %eq3A_215, %broadcast_in_dim3A_217, %select_n3A_195 : vector<1024x128xi1>, vector<1024x128xi32>
    %eq3A_219 = vector.broadcast %broadcast_in_dim3A_211 : vector<1024x1xf32> to vector<1024x1024xf32>
    %eq3A_220 = arith.cmpf oeq, %convert_element_type3A, %eq3A_219 : vector<1024x1024xf32>
    %jit3A_221 = arith.constant 0xFF800000 : f32
    %broadcast_in_dim3A_222 = vector.broadcast %jit3A_221 : f32 to vector<1024x1024xf32>
    %select_n3A_223 = arith.select %eq3A_220, %broadcast_in_dim3A_222, %select_n3A_200 : vector<1024x1024xi1>, vector<1024x1024xf32>
    %reduce_max3A_224 = arith.constant dense<0xFF800000> : vector<1024xf32>
    %reduce_max3A_225 = vector.multi_reduction <maximumf>, %select_n3A_223, %reduce_max3A_224 [1] : vector<1024x1024xf32> to vector<1024xf32>
    %broadcast_in_dim3A_226 = vector.shape_cast %reduce_max3A_225 : vector<1024xf32> to vector<1024x1xf32>
    %eq3A_227 = vector.broadcast %broadcast_in_dim3A_226 : vector<1024x1xf32> to vector<1024x1024xf32>
    %eq3A_228 = arith.cmpf oeq, %select_n3A_223, %eq3A_227 : vector<1024x1024xf32>
    %jit3A_229 = arith.constant 2.048000e+03 : f32
    %broadcast_in_dim3A_230 = vector.broadcast %jit3A_229 : f32 to vector<1024x1024xf32>
    %select_n3A_231 = arith.select %eq3A_228, %convert_element_type3A, %broadcast_in_dim3A_230 : vector<1024x1024xi1>, vector<1024x1024xf32>
    %reduce_min3A_232 = arith.constant dense<0x7F800000> : vector<1024xf32>
    %reduce_min3A_233 = vector.multi_reduction <minimumf>, %select_n3A_231, %reduce_min3A_232 [1] : vector<1024x1024xf32> to vector<1024xf32>
    %broadcast_in_dim3A_234 = vector.shape_cast %reduce_min3A_233 : vector<1024xf32> to vector<1024x1xf32>
    %convert_element_type3A_235 = arith.fptosi %broadcast_in_dim3A_234 : vector<1024x1xf32> to vector<1024x1xi32>
    %eq3A_236 = arith.constant 9 : i32
    %eq3A_237 = vector.broadcast %eq3A_236 : i32 to vector<1024x128xi32>
    %eq3A_238 = arith.cmpi eq, %iota3A_19, %eq3A_237 : vector<1024x128xi32>
    %broadcast_in_dim3A_239 = vector.shape_cast %convert_element_type3A_235 : vector<1024x1xi32> to vector<1024x1xi32>
    %broadcast_in_dim3A_240 = vector.broadcast %broadcast_in_dim3A_239 : vector<1024x1xi32> to vector<1024x128xi32>
    %select_n3A_241 = arith.select %eq3A_238, %broadcast_in_dim3A_240, %select_n3A_218 : vector<1024x128xi1>, vector<1024x128xi32>
    %swap3A = arith.constant 0 : index
    %swap3A_242 = arith.constant 0 : index
    %swap3A_243 = vector.load %arg2[%swap3A, %swap3A_242] : memref<1024x128xi32, #tpu.memory_space<vmem>>, vector<1024x128xi32>
    tpu.vector_store %arg2[%swap3A, %swap3A_242], %select_n3A_241 {strides = array<i32>} : memref<1024x128xi32, #tpu.memory_space<vmem>>, vector<1024x128xi32>,
    return
  }
}

</mosaic_0001>

<sc_bundles>
// kernel: kernel.4.cloned.1.call-start
scs
__scs_entry_jumppad:
0x0: {  	(pc) =	sbr.rel $0x88, $3  }
0x1: {  	(tag) =	ssettag $0x0;
	lr =	simm.s32 $0x1  }
0x2: {  	[smem:$0x3F9F] =	sst lr;
	_ =	strace $0xD0000000  }
0x3: {  	_ = 	snop  }
0x4: {  	_ = 	snop  }
0x5: {  	_ = 	snop  }
0x6: {  	_ = 	snop  }
0x7: {  	_ = 	snop  }
__scs_overlays_trampoline_lowered:
0x8: {  	[smem:$0x3FAE] =	sst s0  }
0x9: {  	[smem:$0x3FAF] =	sst s1  }
0xa: {  	[smem:$0x3FB0] =	sst s2  }
0xb: {  	[smem:$0x3FB1] =	sst s3  }
0xc: {  	[smem:$0x3FB2] =	sst s4  }
0xd: {  	[smem:$0x3FB3] =	sst s5  }
0xe: {  	[smem:$0x3FB4] =	sst s6  }
0xf: {  	[smem:$0x3FB5] =	sst s7  }
0x10: {  	[smem:$0x3FB6] =	sst s8  }
0x11: {  	[smem:$0x3FB7] =	sst s9;
	s0 =	simm.s32 @!p0 $0x0  }
0x12: {  	s1 =	sld [smem:$0x3F9D];
	s0 =	simm.s32 @p0 $0x1  }
0x13: {  	[smem:$0x3FB8] =	sst s0;
	s0 =	simm.s32 @!p1 $0x0  }
0x14: {  	s2 =	sld [smem:$0x3F9C];
	s0 =	simm.s32 @p1 $0x1  }
0x15: {  	[smem:$0x3FB9] =	sst s0;
	s0 =	simm.s32 @!p2 $0x0  }
0x16: {  	s3 =	sld [smem:$0x3FDB];
	s0 =	simm.s32 @p2 $0x1  }
0x17: {  	s4 =	simm.s32 $0x1BF5;
	[smem:$0x3FBB] =	sst s0  }
0x18: {  	s0 =	sld [smem:$0x3F9E];
	_ =	swait.ge [sflag:s4], $0x0  }
0x19: {  	s7 =	sld [smem:$0x3F9F]  }
0x1a: {  	s8 =	sadd.s32 $0xFFFFE003, lr  }
0x1b: {  	s9 =	sadd.s32 $0xFFFFFEF7, lr;
	s5 =	simm.s32 $0xFFFFFFFF;
	p2 =	slt.u32 s8, $0xFFFFF086  }
0x1c: {  	p1 =	slt.u32 s9, $0xF7A;
	s5 =	simm.s32 @!p2 $0x0  }
0x1d: {  	s5 =	simm.s32 @p1 $0x1;
	p0 =	seq.s32 s7, s2  }
0x1e: {  	s7 =	smul.u32 @!p0 $0xF7A, s2;
	p2 =	seq.s32 @!p0 s5, $0x0  }
0x1f: {  	s9 =	smul.u32 $0xF7A, s1;
	s8 =	simm.s32 @!p0 $0x1BF5;
	p2 =	por !p2, p0  }
0x20: {  	[sflag:s8] =	ssyncset.s32 @!p0 $0xFFFFF086;
	s6 =	sadd.s32 @!p0 s3, s7;
	s7 =	simm.s32 @!p0 $0x108  }
0x21: {  	s3 =	sadd.s32 s3, s9;
	s6 =	sadd.s32 @!p0 $0x88, s6;
	s7 =	simm.s32 @p2 $0x1082  }
0x22: {  	[simem:s7], [sflag:s8] =	dma.local @!p0 [hbm:s6], $0xF7A  }
0x23: {  	s9 =	sor.u32 $0xD0000000, s2;
	s6 =	simm.s32 $0x108;
	_ =	swait.ge @!p0 [sflag:s8], $0x0  }
0x24: {  	s3 =	sadd.s32 $0x88, s3;
	s6 =	simm.s32 @!p1 $0x1082;
	[sflag:s4] =	ssyncset.s32 $0xFFFFF086  }
0x25: {  	[simem:s6], [sflag:s4] =	dma.local [hbm:s3], $0xF7A  }
0x26: {  	[smem:$0x3F9F] =	sst s1;
	(tag) =	ssettag s2;
	_ =	strace s9  }
0x27: {  	s1 =	sld [smem:$0x3FAF]  }
0x28: {  	s2 =	sld [smem:$0x3FB0]  }
0x29: {  	s4 =	sld [smem:$0x3FB2]  }
0x2a: {  	p0 =	seq.s32 s5, $0x0;
	s5 =	sld [smem:$0x3FB3]  }
0x2b: {  	s6 =	sld [smem:$0x3FB4]  }
0x2c: {  	s7 =	sld [smem:$0x3FB5]  }
0x2d: {  	s3 =	simm.s32 $0x108;
	s8 =	sld [smem:$0x3FB6]  }
0x2e: {  	s3 =	simm.s32 @!p0 $0x1082;
	s9 =	sld [smem:$0x3FB7]  }
0x2f: {  	lr =	sadd.s32 s0, s3;
	s0 =	sld [smem:$0x3FAE]  }
0x30: {  	s3 =	sld [smem:$0x3FB1]  }
0x31: {  	[smem:$0x3FBA] =	sst s10  }
0x32: {  	s10 =	sld [smem:$0x3FB8];
	_ =	sdelay $0x3  }
0x33: {  	p0 =	seq.s32 s10, $0x1;
	s10 =	sld [smem:$0x3FBA];
	_ =	sdelay $0x3  }
0x34: {  	[smem:$0x3FBA] =	sst s10  }
0x35: {  	s10 =	sld [smem:$0x3FB9];
	_ =	sdelay $0x3  }
0x36: {  	p1 =	seq.s32 s10, $0x1;
	s10 =	sld [smem:$0x3FBA];
	_ =	sdelay $0x3  }
0x37: {  	[smem:$0x3FBA] =	sst s10  }
0x38: {  	s10 =	sld [smem:$0x3FBB]  }
0x39: {  	_ = 	snop;
	(pc) =	sbr.ind lr, $3  }
0x3a: {  	_ = 	snop  }
0x3b: {  	_ = 	snop  }
0x3c: {  	p2 =	seq.s32 s10, $0x1;
	s10 =	sld [smem:$0x3FBA]  }
0x3d: {  	_ =	shalt  }
0x3e: {  	_ =	shalt  }
0x3f: {  	_ =	shalt  }
0x40: {  	_ =	shalt  }
0x41: {  	_ =	shalt  }
0x42: {  	_ =	shalt  }
0x43: {  	_ =	shalt  }
0x44: {  	_ =	shalt  }
0x45: {  	_ =	shalt  }
0x46: {  	_ =	shalt  }
0x47: {  	_ =	shalt  }
0x48: {  	_ =	shalt  }
0x49: {  	_ =	shalt  }
0x4a: {  	_ =	shalt  }
0x4b: {  	_ =	shalt  }
0x4c: {  	_ =	shalt  }
0x4d: {  	_ =	shalt  }
0x4e: {  	_ =	shalt  }
0x4f: {  	_ =	shalt  }
0x50: {  	_ =	shalt  }
0x51: {  	_ =	shalt  }
0x52: {  	_ =	shalt  }
0x53: {  	_ =	shalt  }
0x54: {  	_ =	shalt  }
0x55: {  	_ =	shalt  }
0x56: {  	_ =	shalt  }
0x57: {  	_ =	shalt  }
0x58: {  	_ =	shalt  }
0x59: {  	_ =	shalt  }
0x5a: {  	_ =	shalt  }
0x5b: {  	_ =	shalt  }
0x5c: {  	_ =	shalt  }
0x5d: {  	_ =	shalt  }
0x5e: {  	_ =	shalt  }
0x5f: {  	_ =	shalt  }
0x60: {  	_ =	shalt  }
0x61: {  	_ =	shalt  }
0x62: {  	_ =	shalt  }
0x63: {  	_ =	shalt  }
0x64: {  	_ =	shalt  }
0x65: {  	_ =	shalt  }
0x66: {  	_ =	shalt  }
0x67: {  	_ =	shalt  }
0x68: {  	_ =	shalt  }
0x69: {  	_ =	shalt  }
0x6a: {  	_ =	shalt  }
0x6b: {  	_ =	shalt  }
0x6c: {  	_ =	shalt  }
0x6d: {  	_ =	shalt  }
0x6e: {  	_ =	shalt  }
0x6f: {  	_ =	shalt  }
0x70: {  	_ =	shalt  }
0x71: {  	_ =	shalt  }
0x72: {  	_ =	shalt  }
0x73: {  	_ =	shalt  }
0x74: {  	_ =	shalt  }
0x75: {  	_ =	shalt  }
0x76: {  	_ =	shalt  }
0x77: {  	_ =	shalt  }
0x78: {  	_ =	shalt  }
0x79: {  	_ =	shalt  }
0x7a: {  	_ =	shalt  }
0x7b: {  	_ =	shalt  }
0x7c: {  	_ =	shalt  }
0x7d: {  	_ =	shalt  }
0x7e: {  	_ =	shalt  }
0x7f: {  	_ =	shalt  }
0x80: {  	_ =	shalt  }
0x81: {  	_ =	shalt  }
0x82: {  	_ =	shalt  }
0x83: {  	_ =	shalt  }
0x84: {  	_ =	shalt  }
0x85: {  	_ =	shalt  }
0x86: {  	_ =	shalt  }
0x87: {  	_ =	shalt  }
.Lfunc_end0:
.L_simem_size_0:
called_computation_lowered:
.L_overlay_start_0:
0x88: {  	s2 =	sld [smem:$0x3FD9]  }
0x89: {  	s3 =	sld [smem:$0x3FFE];
	_ =	sdelay $0x1  }
0x8a: {  	s1 =	srdreg.scid  }
0x8b: {  	s0 =	sand.u32 $0x1, s1  }
0x8c: {  	s17 =	sshll.u32 s0, $0xA;
	s2 =	sadd.s32 s3, s2  }
0x8d: {  	s2 =	sadd.s32 s2, s17  }
0x8e: {  	[smem:$0x3FC6] =	sst s2  }
0x8f: {  	_ = 	snop  }
0x90: {  	s2 =	sld [smem:$0x3FC8]  }
0x91: {  	s18 =	sld [smem:$0x3FD0];
	(tm) =	ssettm $0x1  }
0x92: {  	s4 =	sld [smem:$0x3FFB];
	_ =	sdelay $0x3  }
0x93: {  	_ =	strace s4  }
0x94: {  	s4 =	sld [smem:$0x3FFC];
	_ =	sdelay $0x3  }
0x95: {  	_ =	strace s4  }
0x96: {  	s4 =	sld [smem:$0x3FFD];
	_ =	sdelay $0x3  }
0x97: {  	_ =	strace s4  }
0x98: {  	_ =	strace $0x8FFFFFFF  }
0x99: {  	s19 =	sld [smem:$0x3FDB];
	_ =	sdelay $0x1  }
0x9a: {  	s5 =	simm.s32 $_scs_section_size  }
0x9b: {  	s6 =	simm.s32 $_size__tile_overlayer_lowered;
	s7 =	simm.s32 $_tile_overlayer_lowered  }
0x9c: {  	s22 =	simm.s32 $0x1BFF;
	s21 =	sshll.u32 s7, $0x1;
	s4 =	sadd.s32 s5, s19  }
0x9d: {  	s8 =	simm.s32 $0x0;
	s20 =	sshll.u32 s6, $0x1;
	s6 =	sadd.s32 s21, s4  }
0x9e: {  	[timem:s8], [sflag:s22] =	dma.local [hbm:s6], s20  }
0x9f: {  	_ =	swait.ge [sflag:s22], s20  }
0xa0: {  	s5 =	ssub.s32 $0x0, s20;
	[sflag:s22] =	ssyncset.done $0x0  }
0xa1: {  	[sflag:s22] =	ssyncadd.s32 s5;
	_ =	sdelay $0x1  }
0xa2: {  	s23 =	simm.s32 $0x1B8B  }
0xa3: {  	_ =	swait.ge [sflag:s23], $0x1  }
0xa4: {  	[sflag:s23] =	ssyncset.done $0x0  }
0xa5: {  	s25 =	simm.s32 $0x1B8E;
	s24 =	sld [smem:$0x3FFE];
	[sflag:s23] =	ssyncadd.s32 $0xFFFFFFFF  }
0xa6: {  	s26 =	simm.s32 $execute0_lowered;
	[smem:$0x3FD2] =	sst s25  }
0xa7: {  	s6 =	sshll.u32 s26, $0x1;
	_ =	strace $0x80000046;
	[dreg:$0x1] =	wrdreg $0xFFFFFFFF  }
0xa8: {  	s28 =	simm.s32 $_size_execute0_lowered;
	s4 =	sadd.s32 s4, s6;
	[dreg:$0x0] =	wrdreg $0x0  }
0xa9: {  	s6 =	sshll.u32 s28, $0x1;
	[dreg:$0x2] =	wrdreg s4  }
0xaa: {  	[dreg:$0x3] =	wrdreg s6  }
0xab: {  	[dreg:$0x4] =	wrdreg $0xC0  }
0xac: {  	_ =	task [dreg:s8], $0x5FFFF  }
0xad: {  	[dreg:$0x1] =	wrdreg $0xFFFFFFFF  }
0xae: {  	[dreg:$0x0] =	wrdreg $0x60  }
0xaf: {  	[dreg:$0x2] =	wrdreg s2  }
0xb0: {  	[dreg:$0x3] =	wrdreg s24  }
0xb1: {  	[dreg:$0x4] =	wrdreg s18  }
0xb2: {  	[dreg:$0x5] =	wrdreg $0xA1800  }
0xb3: {  	[dreg:$0x6] =	wrdreg $0x9  }
0xb4: {  	_ =	task.clear_ibuf [dreg:s8], $0x7FFFF;
	_ =	strace $0x90000046  }
0xb5: {  	s29 =	simm.s32 $0x9;
	_ =	strace $0x80000048  }
0xb6: {  	_ =	swait.ge [sflag:s29], $0x1  }
0xb7: {  	[sflag:s29] =	ssyncadd.s32 $0xFFFFFFFF  }
0xb8: {  	_ =	strace $0x90000048  }
0xb9: {  	_ =	sfence  }
0xba: {  	s30 =	sld [smem:$0x0];
	_ =	sdelay $0x2  }
0xbb: {  	s31 =	sshll.u32 s1, $0xD;
	s1 =	sshrl.u32 s1, $0x2  }
0xbc: {  	s3 =	sand.u32 $0x4000, s31;
	s1 =	sadd.s32 s1, s30  }
0xbd: {  	s0 =	sor.u32 s3, s0;
	s1 =	sshll.u32 s1, $0x11  }
0xbe: {  	s0 =	sor.u32 s1, s0  }
0xbf: {  	s0 =	sadd.s32 $0x8F2B, s0  }
0xc0: {  	[sflag:s0] =	ssyncadd.remote.s32 $0x1  }
0xc1: {  	_ =	sfence.sel $0xFFFF  }
0xc2: {  	[dreg:$0x0] =	wrdreg $0xFFFFFFFF;
	(pc) =	sbr.abs _section_cstart, $3  }
0xc3: {  	[dreg:$0x1] =	wrdreg $0xFFFFFFFF  }
0xc4: {  	_ =	task.clear_ibuf [dreg:s8], $0x2FFFF;
	_ =	strace $0x9FFFFFFF  }
0xc5: {  	(tm) =	ssettm $0x7FFFFFFF  }
tec
execute0_lowered:
.L_overlay_start_1:
0x0: {  	(tag) =	ssettag $0x1  }
0x1: {  	s4 =	rddreg [dreg:$0x0]  }
0x2: {  	s5 =	rddreg [dreg:$0x1]  }
0x3: {  	s1 =	srdreg.scid;
	s6 =	rddreg [dreg:$0x2]  }
0x4: {  	s0 =	stileid.u32;
	s3 =	rddreg [dreg:$0x3]  }
0x5: {  	s2 =	simm.s32 $0x0;
	s16 =	simm.s32 $0x3;
	s14 =	simm.s32 $0x70  }
0x6: {  	s17 =	simm.s32 $0x60;
	s18 =	simm.s32 $0xE0;
	p1 =	por $0x0, $0x0  }
0x7: {  	s7 =	sand.u32 $0x1, s1;
	s29 =	sshll.u32 s0, $0x1;
	s1 =	rddreg [dreg:$0x4]  }
0x8: {  	[smem:$0x7FF] =	sst s2;
	s10 =	sshll.u32 s0, $0xD;
	s11 =	sshll.u32 s0, $0xA  }
0x9: {  	s13 =	sadd.s32 $0x1E000, s3;
	s9 =	sor.u32 s7, s29;
	s7 =	ssub.s32 $0x2, s7  }
0xa: {  	s15 =	sadd.s32 $0x3C00, s4;
	p0 =	seq.s32 s0, $0xF;
	s30 =	sshrl.u32 s7, $0x1  }
0xb: {  	_ =	strace $0x80000047;
	s10 =	sadd.s32 s10, s3;
	s7 =	ssub.s32 s7, s30  }
0xc: {  	s21 =	sshrl.u32 @p0 s13, $0x3;
	s8 =	smul.u32 $0x28, s9;
	s7 =	smax.u32 s7, $0x1  }
0xd: {  	s13 =	simm.s32 $0x1;
	s12 =	smul.u32 $0xA000, s9;
	s25 =	sadd.s32 $0xFFFFFFFF, s7  }
0xe: {  	s9 =	smul.u32 $0x1400, s9;
	s20 =	sshrl.u32 @!p0 s10, $0x3;
	p2 =	sne.s32 s25, $0x0  }
.Ltmp0:
0xf: {  	s10 =	simm.s32 $0x7180;
	s5 =	sadd.s32 s8, s5;
	(pc) =	sbr.rel @!p2 .LBB2_3-.Ltmp0, $4  }
0x10: {  	s8 =	sadd.s32 s4, s11;
	s12 =	sshrl.u32 s12, $0x3;
	s11 =	sadd.s32 $0x800, s5  }
0x11: {  	s31 =	sadd.s32 s6, s12;
	s6 =	sadd.s32 s6, s9;
	s9 =	sshll.u32 @!p0 s0, $0x6  }
0x12: {  	s12 =	simm.s32 $0x180;
	s7 =	simm.s32 $0x2;
	s5 =	sadd.s32 $0x700, s31  }
0x13: {  	s4 =	sadd.s32 $0xE00, s31;
	s19 =	sor.u32 @!p0 $0x1C03, s9;
	s9 =	simm.s32 $0x3980  }
0x14: {  	s22 =	simm.s32 @p0 $0x1FC3;
	s23 =	simm.s32 @p0 $0x3  }
0x15: {  	[spmem:s21], [sflag:s22] =	dma.local @p0 [hbm:s15], $0x280  }
0x16: {  	_ =	swait.ge @p0 [sflag:s23], $0x280  }
0x17: {  	[sflag:s23] =	ssyncset.done @p0 $0x0  }
0x18: {  	s24 =	simm.s32 @!p0 $0x3;
	[sflag:s23] =	ssyncadd.s32 @p0 $0xFFFFFD80  }
0x19: {  	[spmem:s20], [sflag:s19] =	dma.local @!p0 [hbm:s8], $0x400  }
0x1a: {  	_ =	swait.ge @!p0 [sflag:s24], $0x400  }
0x1b: {  	[sflag:s24] =	ssyncset.done @!p0 $0x0  }
0x1c: {  	[sflag:s24] =	ssyncadd.s32 @!p0 $0xFFFFFC00  }
0x1d: {  	[tilespmem:s2], [sflag:$0x3] =	stream.linear.gather [hbm4b:s11+s2], $0x140, $0x38;
	[tilespmem:$0xC0C0] =	vst v63  }
0x1e: {  	_ =	swait.ge [sflag:s16], $0x140  }
0x1f: {  	[sflag:s16] =	ssyncset.done $0x0  }
0x20: {  	[sflag:s16] =	ssyncadd.s32 $0xFFFFFEC0  }
0x21: {  	[bflag:$0x0] =	sbarrier.arrive $0xFFFF  }
0x22: {  	[tilespmem:s12], [sflag:$0x1] =	stream.indirect.gather [spmem:s3], $0x80, s2, s14, $0xb8;
	[tilespmem:$0xC0C0] =	vst v63  }
0x23: {  	_ = 	snop  }
0x24: {  	[tilespmem:s9], [sflag:$0x1] =	stream.indirect.gather [spmem:s3], $0x80, s14, s14, $0xb8;
	[tilespmem:$0xC0C0] =	vst v63  }
0x25: {  	_ = 	snop  }
0x26: {  	[tilespmem:s10], [sflag:$0x1] =	stream.indirect.gather [spmem:s3], $0x80, s18, s17, $0xb8;
	[tilespmem:$0xC0C0] =	vst v63  }
0x27: {  	_ =	swait.ge [sflag:s13], $0x3800  }
0x28: {  	[sflag:s13] =	ssyncset.done $0x0  }
0x29: {  	[sflag:s13] =	ssyncadd.s32 $0xFFFFC800  }
0x2a: {  	[hbm4b:s6+s2] =	stream.linear.scatter [tilespmem:s12], [sflag:$0x2], $0x3800, $0x38;
	[tilespmem:$0xC0C0] =	vst v63  }
0x2b: {  	_ =	swait.ge [sflag:s13], $0x3800  }
0x2c: {  	[sflag:s13] =	ssyncset.done $0x0  }
0x2d: {  	[sflag:s13] =	ssyncadd.s32 $0xFFFFC800  }
0x2e: {  	[hbm4b:s5+s2] =	stream.linear.scatter [tilespmem:s9], [sflag:$0x2], $0x3800, $0x38;
	[tilespmem:$0xC0C0] =	vst v63  }
0x2f: {  	_ =	swait.ge [sflag:s13], $0x3000  }
0x30: {  	[sflag:s13] =	ssyncset.done $0x0  }
0x31: {  	[sflag:s13] =	ssyncadd.s32 $0xFFFFD000  }
0x32: {  	[hbm4b:s4+s2] =	stream.linear.scatter [tilespmem:s10], [sflag:$0x2], $0x3000, $0x38;
	[tilespmem:$0xC0C0] =	vst v63  }
0x33: {  	_ =	swait.ge [sflag:s7], $0x3800  }
0x34: {  	s25 =	sadd.s32 $0xFFFFFFFF, s25;
	[sflag:s7] =	ssyncset.done $0x0  }
0x35: {  	p2 =	sne.s32 s25, $0x0;
	[sflag:s7] =	ssyncadd.s32 $0xFFFFC800  }
.Ltmp1:
0x36: {  	_ =	swait.ge [sflag:s7], $0x3800;
	(pc) =	sbr.rel @!p2 .LBB2_3-.Ltmp1, $4  }
0x37: {  	[sflag:s7] =	ssyncset.done $0x0  }
0x38: {  	[sflag:s7] =	ssyncadd.s32 $0xFFFFC800  }
0x39: {  	_ =	swait.ge [sflag:s7], $0x3000  }
0x3a: {  	p1 =	por $0x1, $0x1;
	[sflag:s7] =	ssyncset.done $0x0  }
.LBB2_2:
0x3b: {  	[sflag:s7] =	ssyncadd.s32 $0xFFFFD000  }
0x3c: {  	[spmem:s21], [sflag:s22] =	dma.local @p0 [hbm:s15], $0x280  }
0x3d: {  	s25 =	sadd.s32 $0xFFFFFFFF, s25;
	_ =	swait.ge @p0 [sflag:s23], $0x280  }
0x3e: {  	p2 =	sne.s32 s25, $0x0;
	[sflag:s23] =	ssyncset.done @p0 $0x0  }
0x3f: {  	[sflag:s23] =	ssyncadd.s32 @p0 $0xFFFFFD80  }
0x40: {  	[spmem:s20], [sflag:s19] =	dma.local @!p0 [hbm:s8], $0x400  }
0x41: {  	_ =	swait.ge @!p0 [sflag:s24], $0x400  }
0x42: {  	[sflag:s24] =	ssyncset.done @!p0 $0x0  }
0x43: {  	[sflag:s24] =	ssyncadd.s32 @!p0 $0xFFFFFC00  }
0x44: {  	[tilespmem:s2], [sflag:$0x3] =	stream.linear.gather [hbm4b:s11+s2], $0x140, $0x38;
	[tilespmem:$0xC0C0] =	vst v63  }
0x45: {  	_ =	swait.ge [sflag:s16], $0x140  }
0x46: {  	[sflag:s16] =	ssyncset.done $0x0  }
0x47: {  	[sflag:s16] =	ssyncadd.s32 $0xFFFFFEC0  }
0x48: {  	[bflag:$0x0] =	sbarrier.arrive $0xFFFF  }
0x49: {  	[tilespmem:s12], [sflag:$0x1] =	stream.indirect.gather [spmem:s3], $0x80, s2, s14, $0xb8;
	[tilespmem:$0xC0C0] =	vst v63  }
0x4a: {  	_ = 	snop  }
0x4b: {  	[tilespmem:s9], [sflag:$0x1] =	stream.indirect.gather [spmem:s3], $0x80, s14, s14, $0xb8;
	[tilespmem:$0xC0C0] =	vst v63  }
0x4c: {  	_ = 	snop  }
0x4d: {  	[tilespmem:s10], [sflag:$0x1] =	stream.indirect.gather [spmem:s3], $0x80, s18, s17, $0xb8;
	[tilespmem:$0xC0C0] =	vst v63  }
0x4e: {  	_ =	swait.ge [sflag:s13], $0x3800  }
0x4f: {  	[sflag:s13] =	ssyncset.done $0x0  }
0x50: {  	[sflag:s13] =	ssyncadd.s32 $0xFFFFC800  }
0x51: {  	[hbm4b:s6+s2] =	stream.linear.scatter [tilespmem:s12], [sflag:$0x2], $0x3800, $0x38;
	[tilespmem:$0xC0C0] =	vst v63  }
0x52: {  	_ =	swait.ge [sflag:s13], $0x3800  }
0x53: {  	[sflag:s13] =	ssyncset.done $0x0  }
0x54: {  	[sflag:s13] =	ssyncadd.s32 $0xFFFFC800  }
0x55: {  	[hbm4b:s5+s2] =	stream.linear.scatter [tilespmem:s9], [sflag:$0x2], $0x3800, $0x38;
	[tilespmem:$0xC0C0] =	vst v63  }
0x56: {  	_ =	swait.ge [sflag:s13], $0x3000  }
0x57: {  	[sflag:s13] =	ssyncset.done $0x0  }
0x58: {  	[sflag:s13] =	ssyncadd.s32 $0xFFFFD000  }
0x59: {  	[hbm4b:s4+s2] =	stream.linear.scatter [tilespmem:s10], [sflag:$0x2], $0x3000, $0x38;
	[tilespmem:$0xC0C0] =	vst v63  }
0x5a: {  	_ =	swait.ge [sflag:s7], $0x3800  }
0x5b: {  	[sflag:s7] =	ssyncset.done $0x0  }
0x5c: {  	[sflag:s7] =	ssyncadd.s32 $0xFFFFC800  }
.Ltmp2:
0x5d: {  	_ =	swait.ge [sflag:s7], $0x3800;
	(pc) =	sbr.rel @p2 .LBB2_2-.Ltmp2, $4  }
0x5e: {  	[sflag:s7] =	ssyncset.done $0x0  }
0x5f: {  	[sflag:s7] =	ssyncadd.s32 $0xFFFFC800  }
0x60: {  	_ =	swait.ge [sflag:s7], $0x3000  }
0x61: {  	[sflag:s7] =	ssyncset.done $0x0  }
.LBB2_3:
0x62: {  	s22 =	simm.s32 @p0 $0x1FC3;
	s23 =	simm.s32 @p0 $0x3;
	[sflag:s7] =	ssyncadd.s32 @p1 $0xFFFFD000  }
0x63: {  	[spmem:s21], [sflag:s22] =	dma.local @p0 [hbm:s15], $0x280  }
0x64: {  	_ =	swait.ge @p0 [sflag:s23], $0x280  }
0x65: {  	[sflag:s23] =	ssyncset.done @p0 $0x0  }
0x66: {  	s15 =	simm.s32 @!p0 $0x3;
	[sflag:s23] =	ssyncadd.s32 @p0 $0xFFFFFD80  }
0x67: {  	[spmem:s20], [sflag:s19] =	dma.local @!p0 [hbm:s8], $0x400  }
0x68: {  	_ =	swait.ge @!p0 [sflag:s15], $0x400  }
0x69: {  	[sflag:s15] =	ssyncset.done @!p0 $0x0  }
0x6a: {  	[sflag:s15] =	ssyncadd.s32 @!p0 $0xFFFFFC00  }
0x6b: {  	[tilespmem:s2], [sflag:$0x3] =	stream.linear.gather [hbm4b:s11+s2], $0x140, $0x38;
	[tilespmem:$0xC0C0] =	vst v63  }
0x6c: {  	_ =	swait.ge [sflag:s16], $0x140  }
0x6d: {  	[sflag:s16] =	ssyncset.done $0x0  }
0x6e: {  	[sflag:s16] =	ssyncadd.s32 $0xFFFFFEC0  }
0x6f: {  	[bflag:$0x0] =	sbarrier.arrive $0xFFFF  }
0x70: {  	[tilespmem:s12], [sflag:$0x1] =	stream.indirect.gather [spmem:s3], $0x80, s2, s14, $0xb8;
	[tilespmem:$0xC0C0] =	vst v63  }
0x71: {  	_ = 	snop  }
0x72: {  	[tilespmem:s9], [sflag:$0x1] =	stream.indirect.gather [spmem:s3], $0x80, s14, s14, $0xb8;
	[tilespmem:$0xC0C0] =	vst v63  }
0x73: {  	_ = 	snop  }
0x74: {  	[tilespmem:s10], [sflag:$0x1] =	stream.indirect.gather [spmem:s3], $0x80, s18, s17, $0xb8;
	[tilespmem:$0xC0C0] =	vst v63  }
0x75: {  	_ =	swait.ge [sflag:s13], $0x3800  }
0x76: {  	[sflag:s13] =	ssyncset.done $0x0  }
0x77: {  	[sflag:s13] =	ssyncadd.s32 $0xFFFFC800  }
0x78: {  	[hbm4b:s6+s2] =	stream.linear.scatter [tilespmem:s12], [sflag:$0x2], $0x3800, $0x38;
	[tilespmem:$0xC0C0] =	vst v63  }
0x79: {  	_ =	swait.ge [sflag:s13], $0x3800  }
0x7a: {  	[sflag:s13] =	ssyncset.done $0x0  }
0x7b: {  	[sflag:s13] =	ssyncadd.s32 $0xFFFFC800  }
0x7c: {  	[hbm4b:s5+s2] =	stream.linear.scatter [tilespmem:s9], [sflag:$0x2], $0x3800, $0x38;
	[tilespmem:$0xC0C0] =	vst v63  }
0x7d: {  	_ =	swait.ge [sflag:s13], $0x3000  }
0x7e: {  	[sflag:s13] =	ssyncset.done $0x0  }
0x7f: {  	[sflag:s13] =	ssyncadd.s32 $0xFFFFD000  }
0x80: {  	[hbm4b:s4+s2] =	stream.linear.scatter [tilespmem:s10], [sflag:$0x2], $0x3000, $0x38;
	[tilespmem:$0xC0C0] =	vst v63  }
0x81: {  	_ =	swait.ge [sflag:s7], $0x3800  }
0x82: {  	[sflag:s7] =	ssyncset.done $0x0  }
0x83: {  	[sflag:s7] =	ssyncadd.s32 $0xFFFFC800  }
0x84: {  	_ =	swait.ge [sflag:s7], $0x3800  }
0x85: {  	[sflag:s7] =	ssyncset.done $0x0  }
0x86: {  	[sflag:s7] =	ssyncadd.s32 $0xFFFFC800  }
0x87: {  	_ =	swait.ge [sflag:s7], $0x3000  }
0x88: {  	[sflag:s7] =	ssyncset.done $0x0  }
0x89: {  	[sflag:s7] =	ssyncadd.s32 $0xFFFFD000  }
0x8a: {  	_ =	sfence.sel $0x180000  }
0x8b: {  	[bflag:$0x0] =	sbarrier.arrive $0xFFFF  }
0x8c: {  	p0 =	sne.s32 s0, $0x0;
	_ =	strace $0x90000047  }
0x8d: {  	s0 =	sadd.s32 @!p0 $0x100000, s1;
	[bflag:$0x2] =	sbarrier.arrive $0xFFFF  }
0x8e: {  	[sflag:s0] =	ssyncadd.tile.s32 @!p0 $0x1;
	_ =	shalt  }
.Lfunc_end2:
_tile_overlayer_lowered:
.L_overlay_start_2:
0x8f: {  	(tag) =	ssettag $0x2  }
0x90: {  	s0 =	rddreg [dreg:$0x0];
	s2 =	stileid.u32  }
0x91: {  	s1 =	rddreg [dreg:$0x1];
	p0 =	sne.s32 s2, $0x0  }
0x92: {  	s3 =	rddreg [dreg:$0x2];
	[bflag:$0x3] =	sbarrier.arrive $0xFFFF;
	s2 =	simm.s32 @!p0 $0x1C03  }
0x93: {  	[timem:s3], [sflag:s2] =	dma.local @!p0 [hbm:s0], s1  }
0x94: {  	s0 =	simm.s32 @!p0 $0x3  }
0x95: {  	_ =	swait.ge @!p0 [sflag:s0], s1  }
0x96: {  	s1 =	ssub.s32 @!p0 $0x0, s1;
	[sflag:s0] =	ssyncset.done @!p0 $0x0  }
0x97: {  	[sflag:s0] =	ssyncadd.s32 @!p0 s1  }
0x98: {  	[bflag:$0x3] =	sbarrier.arrive $0xFFFF  }
0x99: {  	_ =	shalt  }

</sc_bundles>
